<compile_context>
chip_gen: v7x
topology: tpu7x:2x2x1
jax: 0.10.2.dev20260603
libtpu: 0.0.44.dev20260713+nightly
codegen_flags: <defaults>
</compile_context>

<pallas_src>
import jax
import jax.numpy as jnp
from jax import lax
from jax.experimental import pallas as pl
from jax.experimental.pallas import tpu as pltpu
from jax.experimental.pallas import tpu_sc as plsc

N_NODES = 10000
FEATS = 128
NUM_TILES = 16
NUM_CORES = 2
LANES = 128
N_PAD = 10240
ROWS_PER_TILE = N_PAD // NUM_TILES
CHUNKS = 160
EDGES_PER_TILE = CHUNKS * LANES
DEG_W = 16

import functools


@functools.lru_cache(maxsize=None)
def _sc_mesh():
    return plsc.VectorSubcoreMesh(
        core_axis_name="c", subcore_axis_name="s",
        num_cores=NUM_CORES, num_subcores=NUM_TILES,
    )


def _deg_body(dst_hbm, deg_hbm, dst_v, ones_v, stage_v, acc):
    c = lax.axis_index("c")
    s = lax.axis_index("s")
    wid = c * NUM_TILES + s
    pltpu.sync_copy(dst_hbm.at[pl.ds(wid * CHUNKS, CHUNKS)], dst_v)

    def zfill(i, carry):
        ones_v[i, :] = jnp.ones((DEG_W,), jnp.float32)
        stage_v[i, :] = jnp.zeros((DEG_W,), jnp.float32)
        return carry

    lax.fori_loop(0, LANES, zfill, 0)
    base = s * ROWS_PER_TILE
    for k in range(ROWS_PER_TILE // LANES):
        pltpu.sync_copy(stage_v, acc.at[pl.ds(base + k * LANES, LANES)])
    plsc.subcore_barrier()

    def body(j, carry):
        pltpu.sync_copy(ones_v, acc.at[dst_v.at[j]], add=True)
        return carry

    lax.fori_loop(0, CHUNKS, body, 0)
    plsc.subcore_barrier()
    for k in range(ROWS_PER_TILE // LANES):
        pltpu.sync_copy(acc.at[pl.ds(base + k * LANES, LANES)], stage_v)
        pltpu.sync_copy(
            stage_v, deg_hbm.at[pl.ds(c * N_PAD + base + k * LANES, LANES)]
        )


@functools.lru_cache(maxsize=None)
def _deg_call():
    return pl.kernel(
        _deg_body,
        out_type=jax.ShapeDtypeStruct((NUM_CORES * N_PAD, DEG_W), jnp.float32),
        mesh=_sc_mesh(),
        scratch_types=[
            pltpu.VMEM((CHUNKS, LANES), jnp.int32),
            pltpu.VMEM((LANES, DEG_W), jnp.float32),
            pltpu.VMEM((LANES, DEG_W), jnp.float32),
            pltpu.VMEM_SHARED((N_PAD, DEG_W), jnp.float32),
        ],
        compiler_params=pltpu.CompilerParams(use_tc_tiling_on_sc=False),
    )


HFEATS = FEATS // 2


def _prop_body(src_hbm, dst_hbm, ga_hbm, gb_hbm, outa_hbm, outb_hbm,
               src_v, dst_v, buf0, buf1, stage_v, zero_v, acc, sem0, sem1):
    c = lax.axis_index("c")
    s = lax.axis_index("s")
    wid = c * NUM_TILES + s
    pltpu.sync_copy(src_hbm.at[pl.ds(wid * CHUNKS, CHUNKS)], src_v)
    pltpu.sync_copy(dst_hbm.at[pl.ds(wid * CHUNKS, CHUNKS)], dst_v)

    def zfill(i, carry):
        for k in range(HFEATS // 16):
            zero_v[i, pl.ds(k * 16, 16)] = jnp.zeros((16,), jnp.float32)
        return carry

    lax.fori_loop(0, LANES, zfill, 0)
    base = s * ROWS_PER_TILE

    for f, (g_hbm, out_hbm) in enumerate(((ga_hbm, outa_hbm),
                                          (gb_hbm, outb_hbm))):
        for k in range(ROWS_PER_TILE // LANES):
            pltpu.sync_copy(zero_v, acc.at[pl.ds(base + k * LANES, LANES)])
        plsc.subcore_barrier()

        pltpu.async_copy(g_hbm.at[src_v.at[0]], buf0, sem0)

        def body(i, carry):
            j0 = 2 * i
            j1 = j0 + 1
            pltpu.async_copy(g_hbm.at[src_v.at[j1]], buf1, sem1)
            pltpu.make_async_copy(g_hbm.at[src_v.at[j0]], buf0, sem0).wait()
            pltpu.sync_copy(buf0, acc.at[dst_v.at[j0]], add=True)

            @pl.when(i < CHUNKS // 2 - 1)
            def _():
                pltpu.async_copy(g_hbm.at[src_v.at[j0 + 2]], buf0, sem0)

            pltpu.make_async_copy(g_hbm.at[src_v.at[j1]], buf1, sem1).wait()
            pltpu.sync_copy(buf1, acc.at[dst_v.at[j1]], add=True)
            return carry

        lax.fori_loop(0, CHUNKS // 2, body, 0)
        plsc.subcore_barrier()
        for k in range(ROWS_PER_TILE // LANES):
            pltpu.sync_copy(acc.at[pl.ds(base + k * LANES, LANES)], stage_v)
            pltpu.sync_copy(
                stage_v,
                out_hbm.at[pl.ds(c * N_PAD + base + k * LANES, LANES)],
            )


@functools.lru_cache(maxsize=None)
def _prop_call():
    return pl.kernel(
        _prop_body,
        out_type=(
            jax.ShapeDtypeStruct((NUM_CORES * N_PAD, HFEATS), jnp.float32),
            jax.ShapeDtypeStruct((NUM_CORES * N_PAD, HFEATS), jnp.float32),
        ),
        mesh=_sc_mesh(),
        scratch_types=[
            pltpu.VMEM((CHUNKS, LANES), jnp.int32),
            pltpu.VMEM((CHUNKS, LANES), jnp.int32),
            pltpu.VMEM((LANES, HFEATS), jnp.float32),
            pltpu.VMEM((LANES, HFEATS), jnp.float32),
            pltpu.VMEM((LANES, HFEATS), jnp.float32),
            pltpu.VMEM((LANES, HFEATS), jnp.float32),
            pltpu.VMEM_SHARED((N_PAD, HFEATS), jnp.float32),
            pltpu.SemaphoreType.DMA,
            pltpu.SemaphoreType.DMA,
        ],
        compiler_params=pltpu.CompilerParams(use_tc_tiling_on_sc=False),
    )


ROW_BLK = 1000
ROW_GRID = N_NODES // ROW_BLK


def _pre_body(h_ref, wlin_ref, blin_ref, wal_ref, bal_ref, deg1_ref, deg2_ref,
              hlin_ref, ga_ref, gb_ref, n1_ref, n2_ref, ai_ref):
    hlin = (
        jnp.dot(h_ref[...], wlin_ref[...].T, preferred_element_type=jnp.float32)
        + blin_ref[...][None, :]
    )
    hlin_ref[...] = hlin
    n1 = jnp.where(deg1_ref[...] > 0, lax.rsqrt(deg1_ref[...]), 0.0)
    n2 = jnp.where(deg2_ref[...] > 0, lax.rsqrt(deg2_ref[...]), 0.0)
    n1_ref[...] = n1
    n2_ref[...] = n2
    g1 = hlin * n1
    g2 = hlin * n2
    ga_ref[0] = g1[:, :HFEATS]
    ga_ref[1] = g2[:, :HFEATS]
    gb_ref[0] = g1[:, HFEATS:]
    gb_ref[1] = g2[:, HFEATS:]
    ai_ref[...] = jnp.sum(hlin * wal_ref[...], axis=1, keepdims=True) + bal_ref[0]


def _build_pre(interpret=False):
    return pl.pallas_call(
        _pre_body,
        interpret=interpret,
        grid=(ROW_GRID,),
    in_specs=[
        pl.BlockSpec((ROW_BLK, FEATS), lambda i: (i, 0)),
        pl.BlockSpec((FEATS, FEATS), lambda i: (0, 0)),
        pl.BlockSpec((FEATS,), lambda i: (0,)),
        pl.BlockSpec((1, FEATS), lambda i: (0, 0)),
        pl.BlockSpec(memory_space=pltpu.SMEM),
        pl.BlockSpec((ROW_BLK, 1), lambda i: (i, 0)),
        pl.BlockSpec((ROW_BLK, 1), lambda i: (i, 0)),
    ],
    out_specs=(
        pl.BlockSpec((ROW_BLK, FEATS), lambda i: (i, 0)),
        pl.BlockSpec((2, ROW_BLK, HFEATS), lambda i: (0, i, 0)),
        pl.BlockSpec((2, ROW_BLK, HFEATS), lambda i: (0, i, 0)),
        pl.BlockSpec((ROW_BLK, 1), lambda i: (i, 0)),
        pl.BlockSpec((ROW_BLK, 1), lambda i: (i, 0)),
        pl.BlockSpec((ROW_BLK, 1), lambda i: (i, 0)),
    ),
    out_shape=(
        jax.ShapeDtypeStruct((N_NODES, FEATS), jnp.float32),
        jax.ShapeDtypeStruct((2, N_NODES, HFEATS), jnp.float32),
        jax.ShapeDtypeStruct((2, N_NODES, HFEATS), jnp.float32),
        jax.ShapeDtypeStruct((N_NODES, 1), jnp.float32),
        jax.ShapeDtypeStruct((N_NODES, 1), jnp.float32),
        jax.ShapeDtypeStruct((N_NODES, 1), jnp.float32),
    ),
)


_pre_call = _build_pre()


def _post_body(hlin_ref, agga_ref, aggb_ref, n1_ref, n2_ref, ai_ref,
               war_ref, bar_ref, wfc_ref, bfc_ref, out_ref):
    agg1 = jnp.concatenate([agga_ref[0], aggb_ref[0]], axis=1)
    agg2 = jnp.concatenate([agga_ref[1], aggb_ref[1]], axis=1)
    h1 = agg1 * n1_ref[...]
    h2 = agg2 * n2_ref[...]
    war = war_ref[...]
    bar = bar_ref[0]
    ai = ai_ref[...]
    aj1 = jnp.sum(h1 * war, axis=1, keepdims=True) + bar
    aj2 = jnp.sum(h2 * war, axis=1, keepdims=True) + bar

    def act(x):
        return jnp.clip(jnp.exp(jnp.where(x >= 0, x, 0.2 * x)), -10.0, 10.0)

    a1 = act(ai + aj1)
    a2 = act(ai + aj2)
    inv = 1.0 / (a1 + a2)
    mix = (a1 * inv) * h1 + (a2 * inv) * h2
    out_ref[...] = (
        jnp.dot(mix, wfc_ref[...].T, preferred_element_type=jnp.float32)
        + bfc_ref[...][None, :]
    )


def _build_post(interpret=False):
    return pl.pallas_call(
        _post_body,
        interpret=interpret,
        grid=(ROW_GRID,),
        in_specs=[
        pl.BlockSpec((ROW_BLK, FEATS), lambda i: (i, 0)),
        pl.BlockSpec((2, ROW_BLK, HFEATS), lambda i: (0, i, 0)),
        pl.BlockSpec((2, ROW_BLK, HFEATS), lambda i: (0, i, 0)),
        pl.BlockSpec((ROW_BLK, 1), lambda i: (i, 0)),
        pl.BlockSpec((ROW_BLK, 1), lambda i: (i, 0)),
        pl.BlockSpec((ROW_BLK, 1), lambda i: (i, 0)),
        pl.BlockSpec((1, FEATS), lambda i: (0, 0)),
        pl.BlockSpec(memory_space=pltpu.SMEM),
        pl.BlockSpec((FEATS, FEATS), lambda i: (0, 0)),
        pl.BlockSpec((FEATS,), lambda i: (0,)),
    ],
        out_specs=pl.BlockSpec((ROW_BLK, FEATS), lambda i: (i, 0)),
        out_shape=jax.ShapeDtypeStruct((N_NODES, FEATS), jnp.float32),
    )


_post_call = _build_post()


def _edge_slabs(edge_index, src_offset):
    pad = EDGES_PER_TILE * NUM_TILES - edge_index.shape[1]
    src = jnp.concatenate(
        [edge_index[0] + src_offset, jnp.zeros((pad,), jnp.int32)]
    )
    dst = jnp.concatenate(
        [edge_index[1], jnp.full((pad,), N_NODES, jnp.int32)]
    )
    shape = (NUM_TILES * CHUNKS, LANES)
    return src.reshape(shape), dst.reshape(shape)


def kernel(h, edge_index1, edge_index2, W_lin, b_lin, W_fc, b_fc,
           W_al, b_al, W_ar, b_ar):
    src1, dst1 = _edge_slabs(edge_index1, 0)
    src2, dst2 = _edge_slabs(edge_index2, N_NODES)
    srcs = jnp.concatenate([src1, src2], axis=0)
    dsts = jnp.concatenate([dst1, dst2], axis=0)

    deg = _deg_call()(dsts).reshape(NUM_CORES, N_PAD, DEG_W)
    deg1 = deg[0, :N_NODES, :1]
    deg2 = deg[1, :N_NODES, :1]

    hlin, ga, gb, n1, n2, ai = _pre_call(h, W_lin, b_lin, W_al, b_al,
                                         deg1, deg2)

    agga, aggb = _prop_call()(srcs, dsts,
                              ga.reshape(2 * N_NODES, HFEATS),
                              gb.reshape(2 * N_NODES, HFEATS))
    agga = agga.reshape(NUM_CORES, N_PAD, HFEATS)
    aggb = aggb.reshape(NUM_CORES, N_PAD, HFEATS)

    return _post_call(hlin, agga, aggb, n1, n2, ai, W_ar, b_ar, W_fc, b_fc)

# --- scband reference (transcript-rebuilt; emitter-appended) ---
"""Pipeline reference for scband-gcnlayer-68796786147889 (READ-ONLY COPY).

The authoritative reference and input builder live on the scoring server;
editing this copy changes nothing except your own understanding.
"""

import jax, jax.numpy as jnp
import numpy as np

N = 10000
E = 320000
IN_FEATS = 128
HID_FEATS = 128
OUT_FEATS = 128


def _xavier(key, shape, gain=1.0):
    fan_in, fan_out = shape[1], shape[0]
    a = gain * np.sqrt(6.0 / (fan_in + fan_out))
    return jax.random.uniform(key, shape, dtype=jnp.float32, minval=-a, maxval=a)


def setup_inputs(seed: int = 0) -> dict:
    key = jax.random.key(seed)
    ks = jax.random.split(key, 12)
    relu_gain = float(np.sqrt(2.0))
    h = jax.random.normal(ks[0], (N, IN_FEATS), dtype=jnp.float32)
    edge_index1 = jax.random.randint(ks[1], (2, E), 0, N, dtype=jnp.int32)
    edge_index2 = jax.random.randint(ks[2], (2, E), 0, N, dtype=jnp.int32)
    W_lin = _xavier(ks[3], (HID_FEATS, IN_FEATS), relu_gain)
    b_lin = jnp.zeros((HID_FEATS,), dtype=jnp.float32)
    W_fc = _xavier(ks[4], (OUT_FEATS, HID_FEATS), relu_gain)
    b_fc = jnp.zeros((OUT_FEATS,), dtype=jnp.float32)
    W_al = _xavier(ks[5], (1, HID_FEATS), 1.414)
    b_al = jnp.zeros((1,), dtype=jnp.float32)
    W_ar = _xavier(ks[6], (1, HID_FEATS), 1.414)
    b_ar = jnp.zeros((1,), dtype=jnp.float32)
    return {
        'h': h,
        'edge_index1': edge_index1,
        'edge_index2': edge_index2,
        'W_lin': W_lin, 'b_lin': b_lin,
        'W_fc': W_fc, 'b_fc': b_fc,
        'W_al': W_al, 'b_al': b_al,
        'W_ar': W_ar, 'b_ar': b_ar,
    }


def _norm(edge_index, n):
    # symmetric GCN norm from in-degree, matching DGL precomputed ndata['norm']
    deg = jnp.bincount(edge_index[1], length=n).astype(jnp.float32)
    return jnp.where(deg > 0, 1.0 / jnp.sqrt(deg), 0.0)


def _prop(h, edge_index, norm, n):
    # update_all(gcn_msg, gcn_reduce):
    #   msg = h[src] * norm[src];  h_dst = sum(msg) * norm[dst]
    src = edge_index[0]
    dst = edge_index[1]
    msg = h[src] * norm[src][:, None]
    agg = jax.ops.segment_sum(msg, dst, num_segments=n)
    return agg * norm[:, None]


def _leaky_relu(x, slope=0.2):
    return jnp.where(x >= 0, x, slope * x)


def reference(h, edge_index1, edge_index2, W_lin, b_lin, W_fc, b_fc, W_al, b_al, W_ar, b_ar):
    n = h.shape[0]
    # dropout p=0.0 (eval) -> identity
    h = h @ W_lin.T + b_lin
    norm1 = _norm(edge_index1, n)
    norm2 = _norm(edge_index2, n)
    h1 = _prop(h, edge_index1, norm1, n)
    h2 = _prop(h, edge_index2, norm2, n)
    ai = h @ W_al.T + b_al
    aj1 = h1 @ W_ar.T + b_ar
    aj2 = h2 @ W_ar.T + b_ar
    a1 = _leaky_relu(ai + aj1)
    a1 = jnp.clip(jnp.exp(a1), -10.0, 10.0)
    a2 = _leaky_relu(ai + aj2)
    a2 = jnp.clip(jnp.exp(a2), -10.0, 10.0)
    alpha1 = a1 / (a1 + a2)
    alpha2 = a2 / (a1 + a2)
    h = alpha1 * h1 + alpha2 * h2
    h = h @ W_fc.T + b_fc
    return h

if __name__ == "__main__":
    import jax
    _d = setup_inputs()
    print(jax.jit(kernel)(*tuple(_d.values())))

</pallas_src>

<mosaic_0001>
#map = affine_map<(d0, d1) -> (0, 0)>
module attributes {stable_mosaic.version = 14 : i64} {
  func.func @_deg_body(%arg0: i32, %arg1: i32, %arg2: memref<5120x128xi32, #tpu.memory_space<hbm>>, %arg3: memref<20480x16xf32, #tpu.memory_space<hbm>>, %arg4: memref<160x128xi32, #tpu.memory_space<vmem>>, %arg5: memref<128x16xf32, #tpu.memory_space<vmem>>, %arg6: memref<128x16xf32, #tpu.memory_space<vmem>>, %arg7: memref<10240x16xf32, #tpu.memory_space<vmem_shared>>) attributes {dimension_semantics = [#tpu.dimension_semantics<core_parallel>, #tpu.dimension_semantics<subcore_parallel>], iteration_bounds = array<i64: 2, 16>, scalar_prefetch = 0 : i64, scratch_operands = 4 : i64, tpu.core_type = #tpu.core_type<sc_vector_subcore>, window_params = [{transform_indices = #map}, {transform_indices = #map}]} {
    %mul3A = arith.constant 16 : i32
    %mul3A_0 = arith.muli %arg0, %mul3A : i32
    %add3A = arith.addi %mul3A_0, %arg1 : i32
    %mul3A_1 = arith.constant 160 : i32
    %mul3A_2 = arith.muli %add3A, %mul3A_1 : i32
    "tpu.region"() ({
      %run_scoped3A = tpu.sem_alloc : memref<!tpu.dma_semaphore, #tpu.memory_space<semaphore_mem>>
      %dma_start3A = arith.constant 0 : i32
      %dma_start3A_62 = tpu.memref_slice %arg2[%mul3A_2, %dma_start3A] : memref<5120x128xi32, #tpu.memory_space<hbm>> -> memref<160x128xi32, #tpu.memory_space<hbm>>
      %dma_start3A_63 = arith.constant 0 : i32
      %dma_start3A_64 = tpu.memref_slice %arg2[%mul3A_2, %dma_start3A_63] : memref<5120x128xi32, #tpu.memory_space<hbm>> -> memref<160x128xi32, #tpu.memory_space<hbm>>
      tpu.enqueue_dma source(%dma_start3A_64 : memref<160x128xi32, #tpu.memory_space<hbm>>) target(%arg4 : memref<160x128xi32, #tpu.memory_space<vmem>>) target_semaphore(%run_scoped3A : memref<!tpu.dma_semaphore, #tpu.memory_space<semaphore_mem>>)
      %dma_wait3A = arith.constant 0 : i32
      %dma_wait3A_65 = tpu.memref_slice %arg2[%mul3A_2, %dma_wait3A] : memref<5120x128xi32, #tpu.memory_space<hbm>> -> memref<160x128xi32, #tpu.memory_space<hbm>>
      %dma_wait3A_66 = arith.constant 0 : i32
      %dma_wait3A_67 = tpu.memref_slice %arg2[%mul3A_2, %dma_wait3A_66] : memref<5120x128xi32, #tpu.memory_space<hbm>> -> memref<160x128xi32, #tpu.memory_space<hbm>>
      tpu.wait_dma2 semaphore(%run_scoped3A : memref<!tpu.dma_semaphore, #tpu.memory_space<semaphore_mem>>) src(%dma_wait3A_67 : memref<160x128xi32, #tpu.memory_space<hbm>>) dst(%arg4 : memref<160x128xi32, #tpu.memory_space<vmem>>)
      tpu.yield
    }) : () -> ()
    %scan3A = arith.constant 0 : i32
    %scan3A_3 = arith.constant 0 : i32
    %scan3A_4 = arith.constant 128 : i32
    %scan3A_5 = arith.addi %scan3A_3, %scan3A_4 : i32
    %scan3A_6 = arith.constant 1 : i32
    scf.for %scan3A_62 = %scan3A_3 to %scan3A_5 step %scan3A_6  : i32 {
      %broadcast_in_dim3A = arith.constant 1.000000e+00 : f32
      %broadcast_in_dim3A_63 = vector.broadcast %broadcast_in_dim3A : f32 to vector<16xf32>
      %swap3A = arith.index_cast %scan3A_62 : i32 to index
      %swap3A_64 = arith.constant 0 : index
      %swap3A_65 = tpu.vector_load %arg5[%swap3A, %swap3A_64] {strides = array<i32>} : memref<128x16xf32, #tpu.memory_space<vmem>>, vector<1x16xf32>,
      %swap3A_66 = vector.shape_cast %swap3A_65 : vector<1x16xf32> to vector<16xf32>
      %swap3A_67 = vector.shape_cast %broadcast_in_dim3A_63 : vector<16xf32> to vector<1x16xf32>
      tpu.vector_store %arg5[%swap3A, %swap3A_64], %swap3A_67 {strides = array<i32>} : memref<128x16xf32, #tpu.memory_space<vmem>>, vector<1x16xf32>,
      %broadcast_in_dim3A_68 = arith.constant 0.000000e+00 : f32
      %broadcast_in_dim3A_69 = vector.broadcast %broadcast_in_dim3A_68 : f32 to vector<16xf32>
      %swap3A_70 = arith.index_cast %scan3A_62 : i32 to index
      %swap3A_71 = arith.constant 0 : index
      %swap3A_72 = tpu.vector_load %arg6[%swap3A_70, %swap3A_71] {strides = array<i32>} : memref<128x16xf32, #tpu.memory_space<vmem>>, vector<1x16xf32>,
      %swap3A_73 = vector.shape_cast %swap3A_72 : vector<1x16xf32> to vector<16xf32>
      %swap3A_74 = vector.shape_cast %broadcast_in_dim3A_69 : vector<16xf32> to vector<1x16xf32>
      tpu.vector_store %arg6[%swap3A_70, %swap3A_71], %swap3A_74 {strides = array<i32>} : memref<128x16xf32, #tpu.memory_space<vmem>>, vector<1x16xf32>,
    }
    %scan3A_7 = arith.constant 128 : i32
    %mul3A_8 = arith.constant 640 : i32
    %mul3A_9 = arith.muli %arg1, %mul3A_8 : i32
    %add3A_10 = arith.constant 0 : i32
    %add3A_11 = arith.addi %mul3A_9, %add3A_10 : i32
    "tpu.region"() ({
      %run_scoped3A = tpu.sem_alloc : memref<!tpu.dma_semaphore, #tpu.memory_space<semaphore_mem>>
      %dma_start3A = arith.constant 0 : i32
      %dma_start3A_62 = tpu.memref_slice %arg7[%add3A_11, %dma_start3A] : memref<10240x16xf32, #tpu.memory_space<vmem_shared>> -> memref<128x16xf32, #tpu.memory_space<vmem_shared>>
      %dma_start3A_63 = arith.constant 0 : i32
      %dma_start3A_64 = tpu.memref_slice %arg7[%add3A_11, %dma_start3A_63] : memref<10240x16xf32, #tpu.memory_space<vmem_shared>> -> memref<128x16xf32, #tpu.memory_space<vmem_shared>>
      tpu.enqueue_dma source(%arg6 : memref<128x16xf32, #tpu.memory_space<vmem>>) target(%dma_start3A_64 : memref<128x16xf32, #tpu.memory_space<vmem_shared>>) target_semaphore(%run_scoped3A : memref<!tpu.dma_semaphore, #tpu.memory_space<semaphore_mem>>)
      %dma_wait3A = arith.constant 0 : i32
      %dma_wait3A_65 = tpu.memref_slice %arg7[%add3A_11, %dma_wait3A] : memref<10240x16xf32, #tpu.memory_space<vmem_shared>> -> memref<128x16xf32, #tpu.memory_space<vmem_shared>>
      %dma_wait3A_66 = arith.constant 0 : i32
      %dma_wait3A_67 = tpu.memref_slice %arg7[%add3A_11, %dma_wait3A_66] : memref<10240x16xf32, #tpu.memory_space<vmem_shared>> -> memref<128x16xf32, #tpu.memory_space<vmem_shared>>
      tpu.wait_dma2 semaphore(%run_scoped3A : memref<!tpu.dma_semaphore, #tpu.memory_space<semaphore_mem>>) src(%arg6 : memref<128x16xf32, #tpu.memory_space<vmem>>) dst(%dma_wait3A_67 : memref<128x16xf32, #tpu.memory_space<vmem_shared>>)
      tpu.yield
    }) : () -> ()
    %add3A_12 = arith.constant 128 : i32
    %add3A_13 = arith.addi %mul3A_9, %add3A_12 : i32
    "tpu.region"() ({
      %run_scoped3A = tpu.sem_alloc : memref<!tpu.dma_semaphore, #tpu.memory_space<semaphore_mem>>
      %dma_start3A = arith.constant 0 : i32
      %dma_start3A_62 = tpu.memref_slice %arg7[%add3A_13, %dma_start3A] : memref<10240x16xf32, #tpu.memory_space<vmem_shared>> -> memref<128x16xf32, #tpu.memory_space<vmem_shared>>
      %dma_start3A_63 = arith.constant 0 : i32
      %dma_start3A_64 = tpu.memref_slice %arg7[%add3A_13, %dma_start3A_63] : memref<10240x16xf32, #tpu.memory_space<vmem_shared>> -> memref<128x16xf32, #tpu.memory_space<vmem_shared>>
      tpu.enqueue_dma source(%arg6 : memref<128x16xf32, #tpu.memory_space<vmem>>) target(%dma_start3A_64 : memref<128x16xf32, #tpu.memory_space<vmem_shared>>) target_semaphore(%run_scoped3A : memref<!tpu.dma_semaphore, #tpu.memory_space<semaphore_mem>>)
      %dma_wait3A = arith.constant 0 : i32
      %dma_wait3A_65 = tpu.memref_slice %arg7[%add3A_13, %dma_wait3A] : memref<10240x16xf32, #tpu.memory_space<vmem_shared>> -> memref<128x16xf32, #tpu.memory_space<vmem_shared>>
      %dma_wait3A_66 = arith.constant 0 : i32
      %dma_wait3A_67 = tpu.memref_slice %arg7[%add3A_13, %dma_wait3A_66] : memref<10240x16xf32, #tpu.memory_space<vmem_shared>> -> memref<128x16xf32, #tpu.memory_space<vmem_shared>>
      tpu.wait_dma2 semaphore(%run_scoped3A : memref<!tpu.dma_semaphore, #tpu.memory_space<semaphore_mem>>) src(%arg6 : memref<128x16xf32, #tpu.memory_space<vmem>>) dst(%dma_wait3A_67 : memref<128x16xf32, #tpu.memory_space<vmem_shared>>)
      tpu.yield
    }) : () -> ()
    %add3A_14 = arith.constant 256 : i32
    %add3A_15 = arith.addi %mul3A_9, %add3A_14 : i32
    "tpu.region"() ({
      %run_scoped3A = tpu.sem_alloc : memref<!tpu.dma_semaphore, #tpu.memory_space<semaphore_mem>>
      %dma_start3A = arith.constant 0 : i32
      %dma_start3A_62 = tpu.memref_slice %arg7[%add3A_15, %dma_start3A] : memref<10240x16xf32, #tpu.memory_space<vmem_shared>> -> memref<128x16xf32, #tpu.memory_space<vmem_shared>>
      %dma_start3A_63 = arith.constant 0 : i32
      %dma_start3A_64 = tpu.memref_slice %arg7[%add3A_15, %dma_start3A_63] : memref<10240x16xf32, #tpu.memory_space<vmem_shared>> -> memref<128x16xf32, #tpu.memory_space<vmem_shared>>
      tpu.enqueue_dma source(%arg6 : memref<128x16xf32, #tpu.memory_space<vmem>>) target(%dma_start3A_64 : memref<128x16xf32, #tpu.memory_space<vmem_shared>>) target_semaphore(%run_scoped3A : memref<!tpu.dma_semaphore, #tpu.memory_space<semaphore_mem>>)
      %dma_wait3A = arith.constant 0 : i32
      %dma_wait3A_65 = tpu.memref_slice %arg7[%add3A_15, %dma_wait3A] : memref<10240x16xf32, #tpu.memory_space<vmem_shared>> -> memref<128x16xf32, #tpu.memory_space<vmem_shared>>
      %dma_wait3A_66 = arith.constant 0 : i32
      %dma_wait3A_67 = tpu.memref_slice %arg7[%add3A_15, %dma_wait3A_66] : memref<10240x16xf32, #tpu.memory_space<vmem_shared>> -> memref<128x16xf32, #tpu.memory_space<vmem_shared>>
      tpu.wait_dma2 semaphore(%run_scoped3A : memref<!tpu.dma_semaphore, #tpu.memory_space<semaphore_mem>>) src(%arg6 : memref<128x16xf32, #tpu.memory_space<vmem>>) dst(%dma_wait3A_67 : memref<128x16xf32, #tpu.memory_space<vmem_shared>>)
      tpu.yield
    }) : () -> ()
    %add3A_16 = arith.constant 384 : i32
    %add3A_17 = arith.addi %mul3A_9, %add3A_16 : i32
    "tpu.region"() ({
      %run_scoped3A = tpu.sem_alloc : memref<!tpu.dma_semaphore, #tpu.memory_space<semaphore_mem>>
      %dma_start3A = arith.constant 0 : i32
      %dma_start3A_62 = tpu.memref_slice %arg7[%add3A_17, %dma_start3A] : memref<10240x16xf32, #tpu.memory_space<vmem_shared>> -> memref<128x16xf32, #tpu.memory_space<vmem_shared>>
      %dma_start3A_63 = arith.constant 0 : i32
      %dma_start3A_64 = tpu.memref_slice %arg7[%add3A_17, %dma_start3A_63] : memref<10240x16xf32, #tpu.memory_space<vmem_shared>> -> memref<128x16xf32, #tpu.memory_space<vmem_shared>>
      tpu.enqueue_dma source(%arg6 : memref<128x16xf32, #tpu.memory_space<vmem>>) target(%dma_start3A_64 : memref<128x16xf32, #tpu.memory_space<vmem_shared>>) target_semaphore(%run_scoped3A : memref<!tpu.dma_semaphore, #tpu.memory_space<semaphore_mem>>)
      %dma_wait3A = arith.constant 0 : i32
      %dma_wait3A_65 = tpu.memref_slice %arg7[%add3A_17, %dma_wait3A] : memref<10240x16xf32, #tpu.memory_space<vmem_shared>> -> memref<128x16xf32, #tpu.memory_space<vmem_shared>>
      %dma_wait3A_66 = arith.constant 0 : i32
      %dma_wait3A_67 = tpu.memref_slice %arg7[%add3A_17, %dma_wait3A_66] : memref<10240x16xf32, #tpu.memory_space<vmem_shared>> -> memref<128x16xf32, #tpu.memory_space<vmem_shared>>
      tpu.wait_dma2 semaphore(%run_scoped3A : memref<!tpu.dma_semaphore, #tpu.memory_space<semaphore_mem>>) src(%arg6 : memref<128x16xf32, #tpu.memory_space<vmem>>) dst(%dma_wait3A_67 : memref<128x16xf32, #tpu.memory_space<vmem_shared>>)
      tpu.yield
    }) : () -> ()
    %add3A_18 = arith.constant 512 : i32
    %add3A_19 = arith.addi %mul3A_9, %add3A_18 : i32
    "tpu.region"() ({
      %run_scoped3A = tpu.sem_alloc : memref<!tpu.dma_semaphore, #tpu.memory_space<semaphore_mem>>
      %dma_start3A = arith.constant 0 : i32
      %dma_start3A_62 = tpu.memref_slice %arg7[%add3A_19, %dma_start3A] : memref<10240x16xf32, #tpu.memory_space<vmem_shared>> -> memref<128x16xf32, #tpu.memory_space<vmem_shared>>
      %dma_start3A_63 = arith.constant 0 : i32
      %dma_start3A_64 = tpu.memref_slice %arg7[%add3A_19, %dma_start3A_63] : memref<10240x16xf32, #tpu.memory_space<vmem_shared>> -> memref<128x16xf32, #tpu.memory_space<vmem_shared>>
      tpu.enqueue_dma source(%arg6 : memref<128x16xf32, #tpu.memory_space<vmem>>) target(%dma_start3A_64 : memref<128x16xf32, #tpu.memory_space<vmem_shared>>) target_semaphore(%run_scoped3A : memref<!tpu.dma_semaphore, #tpu.memory_space<semaphore_mem>>)
      %dma_wait3A = arith.constant 0 : i32
      %dma_wait3A_65 = tpu.memref_slice %arg7[%add3A_19, %dma_wait3A] : memref<10240x16xf32, #tpu.memory_space<vmem_shared>> -> memref<128x16xf32, #tpu.memory_space<vmem_shared>>
      %dma_wait3A_66 = arith.constant 0 : i32
      %dma_wait3A_67 = tpu.memref_slice %arg7[%add3A_19, %dma_wait3A_66] : memref<10240x16xf32, #tpu.memory_space<vmem_shared>> -> memref<128x16xf32, #tpu.memory_space<vmem_shared>>
      tpu.wait_dma2 semaphore(%run_scoped3A : memref<!tpu.dma_semaphore, #tpu.memory_space<semaphore_mem>>) src(%arg6 : memref<128x16xf32, #tpu.memory_space<vmem>>) dst(%dma_wait3A_67 : memref<128x16xf32, #tpu.memory_space<vmem_shared>>)
      tpu.yield
    }) : () -> ()
    %barrier3A = arith.constant 0 : index
    tpu.barrier barrier_id(%barrier3A)
    %scan3A_20 = arith.constant 0 : i32
    %scan3A_21 = arith.constant 0 : i32
    %scan3A_22 = arith.constant 160 : i32
    %scan3A_23 = arith.addi %scan3A_21, %scan3A_22 : i32
    %scan3A_24 = arith.constant 1 : i32
    scf.for %scan3A_62 = %scan3A_21 to %scan3A_23 step %scan3A_24  : i32 {
      "tpu.region"() ({
        %run_scoped3A = tpu.sem_alloc : memref<!tpu.dma_semaphore, #tpu.memory_space<semaphore_mem>>
        %dma_start3A = arith.constant 0 : i32
        %dma_start3A_63 = tpu.memref_slice %arg4[%scan3A_62, %dma_start3A] : memref<160x128xi32, #tpu.memory_space<vmem>> -> memref<1x128xi32, #tpu.memory_space<vmem>>
        %dma_start3A_64 = tpu.memref_squeeze %dma_start3A_63 : memref<1x128xi32, #tpu.memory_space<vmem>> -> memref<128xi32, #tpu.memory_space<vmem>>
        %dma_start3A_65 = arith.constant 0 : i32
        %dma_start3A_66 = arith.constant 0 : i32
        %dma_start3A_67 = tpu.memref_slice %arg7[%dma_start3A_65, %dma_start3A_66] : memref<10240x16xf32, #tpu.memory_space<vmem_shared>> -> memref<10240x16xf32, #tpu.memory_space<vmem_shared>>
        tpu.enqueue_indirect_dma source(%arg5 : memref<128x16xf32, #tpu.memory_space<vmem>>) target(%dma_start3A_67 : memref<10240x16xf32, #tpu.memory_space<vmem_shared>>) offsets(%dma_start3A_64 : memref<128xi32, #tpu.memory_space<vmem>>) semaphore(%run_scoped3A : memref<!tpu.dma_semaphore, #tpu.memory_space<semaphore_mem>>) {add = true}
        %dma_wait3A = arith.constant 0 : i32
        %dma_wait3A_68 = tpu.memref_slice %arg4[%scan3A_62, %dma_wait3A] : memref<160x128xi32, #tpu.memory_space<vmem>> -> memref<1x128xi32, #tpu.memory_space<vmem>>
        %dma_wait3A_69 = tpu.memref_squeeze %dma_wait3A_68 : memref<1x128xi32, #tpu.memory_space<vmem>> -> memref<128xi32, #tpu.memory_space<vmem>>
        %dma_wait3A_70 = arith.constant 0 : i32
        %dma_wait3A_71 = arith.constant 0 : i32
        %dma_wait3A_72 = tpu.memref_slice %arg7[%dma_wait3A_70, %dma_wait3A_71] : memref<10240x16xf32, #tpu.memory_space<vmem_shared>> -> memref<10240x16xf32, #tpu.memory_space<vmem_shared>>
        tpu.wait_indirect_dma semaphore(%run_scoped3A : memref<!tpu.dma_semaphore, #tpu.memory_space<semaphore_mem>>) src(%arg5 : memref<128x16xf32, #tpu.memory_space<vmem>>) dst(%dma_wait3A_72 : memref<10240x16xf32, #tpu.memory_space<vmem_shared>>)
        tpu.yield
      }) : () -> ()
    }
    %scan3A_25 = arith.constant 160 : i32
    %barrier3A_26 = arith.constant 0 : index
    tpu.barrier barrier_id(%barrier3A_26)
    %add3A_27 = arith.constant 0 : i32
    %add3A_28 = arith.addi %mul3A_9, %add3A_27 : i32
    "tpu.region"() ({
      %run_scoped3A = tpu.sem_alloc : memref<!tpu.dma_semaphore, #tpu.memory_space<semaphore_mem>>
      %dma_start3A = arith.constant 0 : i32
      %dma_start3A_62 = tpu.memref_slice %arg7[%add3A_28, %dma_start3A] : memref<10240x16xf32, #tpu.memory_space<vmem_shared>> -> memref<128x16xf32, #tpu.memory_space<vmem_shared>>
      %dma_start3A_63 = arith.constant 0 : i32
      %dma_start3A_64 = tpu.memref_slice %arg7[%add3A_28, %dma_start3A_63] : memref<10240x16xf32, #tpu.memory_space<vmem_shared>> -> memref<128x16xf32, #tpu.memory_space<vmem_shared>>
      tpu.enqueue_dma source(%dma_start3A_64 : memref<128x16xf32, #tpu.memory_space<vmem_shared>>) target(%arg6 : memref<128x16xf32, #tpu.memory_space<vmem>>) target_semaphore(%run_scoped3A : memref<!tpu.dma_semaphore, #tpu.memory_space<semaphore_mem>>)
      %dma_wait3A = arith.constant 0 : i32
      %dma_wait3A_65 = tpu.memref_slice %arg7[%add3A_28, %dma_wait3A] : memref<10240x16xf32, #tpu.memory_space<vmem_shared>> -> memref<128x16xf32, #tpu.memory_space<vmem_shared>>
      %dma_wait3A_66 = arith.constant 0 : i32
      %dma_wait3A_67 = tpu.memref_slice %arg7[%add3A_28, %dma_wait3A_66] : memref<10240x16xf32, #tpu.memory_space<vmem_shared>> -> memref<128x16xf32, #tpu.memory_space<vmem_shared>>
      tpu.wait_dma2 semaphore(%run_scoped3A : memref<!tpu.dma_semaphore, #tpu.memory_space<semaphore_mem>>) src(%dma_wait3A_67 : memref<128x16xf32, #tpu.memory_space<vmem_shared>>) dst(%arg6 : memref<128x16xf32, #tpu.memory_space<vmem>>)
      tpu.yield
    }) : () -> ()
    %mul3A_29 = arith.constant 10240 : i32
    %mul3A_30 = arith.muli %arg0, %mul3A_29 : i32
    %add3A_31 = arith.addi %mul3A_30, %mul3A_9 : i32
    %add3A_32 = arith.constant 0 : i32
    %add3A_33 = arith.addi %add3A_31, %add3A_32 : i32
    "tpu.region"() ({
      %run_scoped3A = tpu.sem_alloc : memref<!tpu.dma_semaphore, #tpu.memory_space<semaphore_mem>>
      %dma_start3A = arith.constant 0 : i32
      %dma_start3A_62 = tpu.memref_slice %arg3[%add3A_33, %dma_start3A] : memref<20480x16xf32, #tpu.memory_space<hbm>> -> memref<128x16xf32, #tpu.memory_space<hbm>>
      %dma_start3A_63 = arith.constant 0 : i32
      %dma_start3A_64 = tpu.memref_slice %arg3[%add3A_33, %dma_start3A_63] : memref<20480x16xf32, #tpu.memory_space<hbm>> -> memref<128x16xf32, #tpu.memory_space<hbm>>
      tpu.enqueue_dma source(%arg6 : memref<128x16xf32, #tpu.memory_space<vmem>>) target(%dma_start3A_64 : memref<128x16xf32, #tpu.memory_space<hbm>>) target_semaphore(%run_scoped3A : memref<!tpu.dma_semaphore, #tpu.memory_space<semaphore_mem>>)
      %dma_wait3A = arith.constant 0 : i32
      %dma_wait3A_65 = tpu.memref_slice %arg3[%add3A_33, %dma_wait3A] : memref<20480x16xf32, #tpu.memory_space<hbm>> -> memref<128x16xf32, #tpu.memory_space<hbm>>
      %dma_wait3A_66 = arith.constant 0 : i32
      %dma_wait3A_67 = tpu.memref_slice %arg3[%add3A_33, %dma_wait3A_66] : memref<20480x16xf32, #tpu.memory_space<hbm>> -> memref<128x16xf32, #tpu.memory_space<hbm>>
      tpu.wait_dma2 semaphore(%run_scoped3A : memref<!tpu.dma_semaphore, #tpu.memory_space<semaphore_mem>>) src(%arg6 : memref<128x16xf32, #tpu.memory_space<vmem>>) dst(%dma_wait3A_67 : memref<128x16xf32, #tpu.memory_space<hbm>>)
      tpu.yield
    }) : () -> ()
    %add3A_34 = arith.constant 128 : i32
    %add3A_35 = arith.addi %mul3A_9, %add3A_34 : i32
    "tpu.region"() ({
      %run_scoped3A = tpu.sem_alloc : memref<!tpu.dma_semaphore, #tpu.memory_space<semaphore_mem>>
      %dma_start3A = arith.constant 0 : i32
      %dma_start3A_62 = tpu.memref_slice %arg7[%add3A_35, %dma_start3A] : memref<10240x16xf32, #tpu.memory_space<vmem_shared>> -> memref<128x16xf32, #tpu.memory_space<vmem_shared>>
      %dma_start3A_63 = arith.constant 0 : i32
      %dma_start3A_64 = tpu.memref_slice %arg7[%add3A_35, %dma_start3A_63] : memref<10240x16xf32, #tpu.memory_space<vmem_shared>> -> memref<128x16xf32, #tpu.memory_space<vmem_shared>>
      tpu.enqueue_dma source(%dma_start3A_64 : memref<128x16xf32, #tpu.memory_space<vmem_shared>>) target(%arg6 : memref<128x16xf32, #tpu.memory_space<vmem>>) target_semaphore(%run_scoped3A : memref<!tpu.dma_semaphore, #tpu.memory_space<semaphore_mem>>)
      %dma_wait3A = arith.constant 0 : i32
      %dma_wait3A_65 = tpu.memref_slice %arg7[%add3A_35, %dma_wait3A] : memref<10240x16xf32, #tpu.memory_space<vmem_shared>> -> memref<128x16xf32, #tpu.memory_space<vmem_shared>>
      %dma_wait3A_66 = arith.constant 0 : i32
      %dma_wait3A_67 = tpu.memref_slice %arg7[%add3A_35, %dma_wait3A_66] : memref<10240x16xf32, #tpu.memory_space<vmem_shared>> -> memref<128x16xf32, #tpu.memory_space<vmem_shared>>
      tpu.wait_dma2 semaphore(%run_scoped3A : memref<!tpu.dma_semaphore, #tpu.memory_space<semaphore_mem>>) src(%dma_wait3A_67 : memref<128x16xf32, #tpu.memory_space<vmem_shared>>) dst(%arg6 : memref<128x16xf32, #tpu.memory_space<vmem>>)
      tpu.yield
    }) : () -> ()
    %mul3A_36 = arith.constant 10240 : i32
    %mul3A_37 = arith.muli %arg0, %mul3A_36 : i32
    %add3A_38 = arith.addi %mul3A_37, %mul3A_9 : i32
    %add3A_39 = arith.constant 128 : i32
    %add3A_40 = arith.addi %add3A_38, %add3A_39 : i32
    "tpu.region"() ({
      %run_scoped3A = tpu.sem_alloc : memref<!tpu.dma_semaphore, #tpu.memory_space<semaphore_mem>>
      %dma_start3A = arith.constant 0 : i32
      %dma_start3A_62 = tpu.memref_slice %arg3[%add3A_40, %dma_start3A] : memref<20480x16xf32, #tpu.memory_space<hbm>> -> memref<128x16xf32, #tpu.memory_space<hbm>>
      %dma_start3A_63 = arith.constant 0 : i32
      %dma_start3A_64 = tpu.memref_slice %arg3[%add3A_40, %dma_start3A_63] : memref<20480x16xf32, #tpu.memory_space<hbm>> -> memref<128x16xf32, #tpu.memory_space<hbm>>
      tpu.enqueue_dma source(%arg6 : memref<128x16xf32, #tpu.memory_space<vmem>>) target(%dma_start3A_64 : memref<128x16xf32, #tpu.memory_space<hbm>>) target_semaphore(%run_scoped3A : memref<!tpu.dma_semaphore, #tpu.memory_space<semaphore_mem>>)
      %dma_wait3A = arith.constant 0 : i32
      %dma_wait3A_65 = tpu.memref_slice %arg3[%add3A_40, %dma_wait3A] : memref<20480x16xf32, #tpu.memory_space<hbm>> -> memref<128x16xf32, #tpu.memory_space<hbm>>
      %dma_wait3A_66 = arith.constant 0 : i32
      %dma_wait3A_67 = tpu.memref_slice %arg3[%add3A_40, %dma_wait3A_66] : memref<20480x16xf32, #tpu.memory_space<hbm>> -> memref<128x16xf32, #tpu.memory_space<hbm>>
      tpu.wait_dma2 semaphore(%run_scoped3A : memref<!tpu.dma_semaphore, #tpu.memory_space<semaphore_mem>>) src(%arg6 : memref<128x16xf32, #tpu.memory_space<vmem>>) dst(%dma_wait3A_67 : memref<128x16xf32, #tpu.memory_space<hbm>>)
      tpu.yield
    }) : () -> ()
    %add3A_41 = arith.constant 256 : i32
    %add3A_42 = arith.addi %mul3A_9, %add3A_41 : i32
    "tpu.region"() ({
      %run_scoped3A = tpu.sem_alloc : memref<!tpu.dma_semaphore, #tpu.memory_space<semaphore_mem>>
      %dma_start3A = arith.constant 0 : i32
      %dma_start3A_62 = tpu.memref_slice %arg7[%add3A_42, %dma_start3A] : memref<10240x16xf32, #tpu.memory_space<vmem_shared>> -> memref<128x16xf32, #tpu.memory_space<vmem_shared>>
      %dma_start3A_63 = arith.constant 0 : i32
      %dma_start3A_64 = tpu.memref_slice %arg7[%add3A_42, %dma_start3A_63] : memref<10240x16xf32, #tpu.memory_space<vmem_shared>> -> memref<128x16xf32, #tpu.memory_space<vmem_shared>>
      tpu.enqueue_dma source(%dma_start3A_64 : memref<128x16xf32, #tpu.memory_space<vmem_shared>>) target(%arg6 : memref<128x16xf32, #tpu.memory_space<vmem>>) target_semaphore(%run_scoped3A : memref<!tpu.dma_semaphore, #tpu.memory_space<semaphore_mem>>)
      %dma_wait3A = arith.constant 0 : i32
      %dma_wait3A_65 = tpu.memref_slice %arg7[%add3A_42, %dma_wait3A] : memref<10240x16xf32, #tpu.memory_space<vmem_shared>> -> memref<128x16xf32, #tpu.memory_space<vmem_shared>>
      %dma_wait3A_66 = arith.constant 0 : i32
      %dma_wait3A_67 = tpu.memref_slice %arg7[%add3A_42, %dma_wait3A_66] : memref<10240x16xf32, #tpu.memory_space<vmem_shared>> -> memref<128x16xf32, #tpu.memory_space<vmem_shared>>
      tpu.wait_dma2 semaphore(%run_scoped3A : memref<!tpu.dma_semaphore, #tpu.memory_space<semaphore_mem>>) src(%dma_wait3A_67 : memref<128x16xf32, #tpu.memory_space<vmem_shared>>) dst(%arg6 : memref<128x16xf32, #tpu.memory_space<vmem>>)
      tpu.yield
    }) : () -> ()
    %mul3A_43 = arith.constant 10240 : i32
    %mul3A_44 = arith.muli %arg0, %mul3A_43 : i32
    %add3A_45 = arith.addi %mul3A_44, %mul3A_9 : i32
    %add3A_46 = arith.constant 256 : i32
    %add3A_47 = arith.addi %add3A_45, %add3A_46 : i32
    "tpu.region"() ({
      %run_scoped3A = tpu.sem_alloc : memref<!tpu.dma_semaphore, #tpu.memory_space<semaphore_mem>>
      %dma_start3A = arith.constant 0 : i32
      %dma_start3A_62 = tpu.memref_slice %arg3[%add3A_47, %dma_start3A] : memref<20480x16xf32, #tpu.memory_space<hbm>> -> memref<128x16xf32, #tpu.memory_space<hbm>>
      %dma_start3A_63 = arith.constant 0 : i32
      %dma_start3A_64 = tpu.memref_slice %arg3[%add3A_47, %dma_start3A_63] : memref<20480x16xf32, #tpu.memory_space<hbm>> -> memref<128x16xf32, #tpu.memory_space<hbm>>
      tpu.enqueue_dma source(%arg6 : memref<128x16xf32, #tpu.memory_space<vmem>>) target(%dma_start3A_64 : memref<128x16xf32, #tpu.memory_space<hbm>>) target_semaphore(%run_scoped3A : memref<!tpu.dma_semaphore, #tpu.memory_space<semaphore_mem>>)
      %dma_wait3A = arith.constant 0 : i32
      %dma_wait3A_65 = tpu.memref_slice %arg3[%add3A_47, %dma_wait3A] : memref<20480x16xf32, #tpu.memory_space<hbm>> -> memref<128x16xf32, #tpu.memory_space<hbm>>
      %dma_wait3A_66 = arith.constant 0 : i32
      %dma_wait3A_67 = tpu.memref_slice %arg3[%add3A_47, %dma_wait3A_66] : memref<20480x16xf32, #tpu.memory_space<hbm>> -> memref<128x16xf32, #tpu.memory_space<hbm>>
      tpu.wait_dma2 semaphore(%run_scoped3A : memref<!tpu.dma_semaphore, #tpu.memory_space<semaphore_mem>>) src(%arg6 : memref<128x16xf32, #tpu.memory_space<vmem>>) dst(%dma_wait3A_67 : memref<128x16xf32, #tpu.memory_space<hbm>>)
      tpu.yield
    }) : () -> ()
    %add3A_48 = arith.constant 384 : i32
    %add3A_49 = arith.addi %mul3A_9, %add3A_48 : i32
    "tpu.region"() ({
      %run_scoped3A = tpu.sem_alloc : memref<!tpu.dma_semaphore, #tpu.memory_space<semaphore_mem>>
      %dma_start3A = arith.constant 0 : i32
      %dma_start3A_62 = tpu.memref_slice %arg7[%add3A_49, %dma_start3A] : memref<10240x16xf32, #tpu.memory_space<vmem_shared>> -> memref<128x16xf32, #tpu.memory_space<vmem_shared>>
      %dma_start3A_63 = arith.constant 0 : i32
      %dma_start3A_64 = tpu.memref_slice %arg7[%add3A_49, %dma_start3A_63] : memref<10240x16xf32, #tpu.memory_space<vmem_shared>> -> memref<128x16xf32, #tpu.memory_space<vmem_shared>>
      tpu.enqueue_dma source(%dma_start3A_64 : memref<128x16xf32, #tpu.memory_space<vmem_shared>>) target(%arg6 : memref<128x16xf32, #tpu.memory_space<vmem>>) target_semaphore(%run_scoped3A : memref<!tpu.dma_semaphore, #tpu.memory_space<semaphore_mem>>)
      %dma_wait3A = arith.constant 0 : i32
      %dma_wait3A_65 = tpu.memref_slice %arg7[%add3A_49, %dma_wait3A] : memref<10240x16xf32, #tpu.memory_space<vmem_shared>> -> memref<128x16xf32, #tpu.memory_space<vmem_shared>>
      %dma_wait3A_66 = arith.constant 0 : i32
      %dma_wait3A_67 = tpu.memref_slice %arg7[%add3A_49, %dma_wait3A_66] : memref<10240x16xf32, #tpu.memory_space<vmem_shared>> -> memref<128x16xf32, #tpu.memory_space<vmem_shared>>
      tpu.wait_dma2 semaphore(%run_scoped3A : memref<!tpu.dma_semaphore, #tpu.memory_space<semaphore_mem>>) src(%dma_wait3A_67 : memref<128x16xf32, #tpu.memory_space<vmem_shared>>) dst(%arg6 : memref<128x16xf32, #tpu.memory_space<vmem>>)
      tpu.yield
    }) : () -> ()
    %mul3A_50 = arith.constant 10240 : i32
    %mul3A_51 = arith.muli %arg0, %mul3A_50 : i32
    %add3A_52 = arith.addi %mul3A_51, %mul3A_9 : i32
    %add3A_53 = arith.constant 384 : i32
    %add3A_54 = arith.addi %add3A_52, %add3A_53 : i32
    "tpu.region"() ({
      %run_scoped3A = tpu.sem_alloc : memref<!tpu.dma_semaphore, #tpu.memory_space<semaphore_mem>>
      %dma_start3A = arith.constant 0 : i32
      %dma_start3A_62 = tpu.memref_slice %arg3[%add3A_54, %dma_start3A] : memref<20480x16xf32, #tpu.memory_space<hbm>> -> memref<128x16xf32, #tpu.memory_space<hbm>>
      %dma_start3A_63 = arith.constant 0 : i32
      %dma_start3A_64 = tpu.memref_slice %arg3[%add3A_54, %dma_start3A_63] : memref<20480x16xf32, #tpu.memory_space<hbm>> -> memref<128x16xf32, #tpu.memory_space<hbm>>
      tpu.enqueue_dma source(%arg6 : memref<128x16xf32, #tpu.memory_space<vmem>>) target(%dma_start3A_64 : memref<128x16xf32, #tpu.memory_space<hbm>>) target_semaphore(%run_scoped3A : memref<!tpu.dma_semaphore, #tpu.memory_space<semaphore_mem>>)
      %dma_wait3A = arith.constant 0 : i32
      %dma_wait3A_65 = tpu.memref_slice %arg3[%add3A_54, %dma_wait3A] : memref<20480x16xf32, #tpu.memory_space<hbm>> -> memref<128x16xf32, #tpu.memory_space<hbm>>
      %dma_wait3A_66 = arith.constant 0 : i32
      %dma_wait3A_67 = tpu.memref_slice %arg3[%add3A_54, %dma_wait3A_66] : memref<20480x16xf32, #tpu.memory_space<hbm>> -> memref<128x16xf32, #tpu.memory_space<hbm>>
      tpu.wait_dma2 semaphore(%run_scoped3A : memref<!tpu.dma_semaphore, #tpu.memory_space<semaphore_mem>>) src(%arg6 : memref<128x16xf32, #tpu.memory_space<vmem>>) dst(%dma_wait3A_67 : memref<128x16xf32, #tpu.memory_space<hbm>>)
      tpu.yield
    }) : () -> ()
    %add3A_55 = arith.constant 512 : i32
    %add3A_56 = arith.addi %mul3A_9, %add3A_55 : i32
    "tpu.region"() ({
      %run_scoped3A = tpu.sem_alloc : memref<!tpu.dma_semaphore, #tpu.memory_space<semaphore_mem>>
      %dma_start3A = arith.constant 0 : i32
      %dma_start3A_62 = tpu.memref_slice %arg7[%add3A_56, %dma_start3A] : memref<10240x16xf32, #tpu.memory_space<vmem_shared>> -> memref<128x16xf32, #tpu.memory_space<vmem_shared>>
      %dma_start3A_63 = arith.constant 0 : i32
      %dma_start3A_64 = tpu.memref_slice %arg7[%add3A_56, %dma_start3A_63] : memref<10240x16xf32, #tpu.memory_space<vmem_shared>> -> memref<128x16xf32, #tpu.memory_space<vmem_shared>>
      tpu.enqueue_dma source(%dma_start3A_64 : memref<128x16xf32, #tpu.memory_space<vmem_shared>>) target(%arg6 : memref<128x16xf32, #tpu.memory_space<vmem>>) target_semaphore(%run_scoped3A : memref<!tpu.dma_semaphore, #tpu.memory_space<semaphore_mem>>)
      %dma_wait3A = arith.constant 0 : i32
      %dma_wait3A_65 = tpu.memref_slice %arg7[%add3A_56, %dma_wait3A] : memref<10240x16xf32, #tpu.memory_space<vmem_shared>> -> memref<128x16xf32, #tpu.memory_space<vmem_shared>>
      %dma_wait3A_66 = arith.constant 0 : i32
      %dma_wait3A_67 = tpu.memref_slice %arg7[%add3A_56, %dma_wait3A_66] : memref<10240x16xf32, #tpu.memory_space<vmem_shared>> -> memref<128x16xf32, #tpu.memory_space<vmem_shared>>
      tpu.wait_dma2 semaphore(%run_scoped3A : memref<!tpu.dma_semaphore, #tpu.memory_space<semaphore_mem>>) src(%dma_wait3A_67 : memref<128x16xf32, #tpu.memory_space<vmem_shared>>) dst(%arg6 : memref<128x16xf32, #tpu.memory_space<vmem>>)
      tpu.yield
    }) : () -> ()
    %mul3A_57 = arith.constant 10240 : i32
    %mul3A_58 = arith.muli %arg0, %mul3A_57 : i32
    %add3A_59 = arith.addi %mul3A_58, %mul3A_9 : i32
    %add3A_60 = arith.constant 512 : i32
    %add3A_61 = arith.addi %add3A_59, %add3A_60 : i32
    "tpu.region"() ({
      %run_scoped3A = tpu.sem_alloc : memref<!tpu.dma_semaphore, #tpu.memory_space<semaphore_mem>>
      %dma_start3A = arith.constant 0 : i32
      %dma_start3A_62 = tpu.memref_slice %arg3[%add3A_61, %dma_start3A] : memref<20480x16xf32, #tpu.memory_space<hbm>> -> memref<128x16xf32, #tpu.memory_space<hbm>>
      %dma_start3A_63 = arith.constant 0 : i32
      %dma_start3A_64 = tpu.memref_slice %arg3[%add3A_61, %dma_start3A_63] : memref<20480x16xf32, #tpu.memory_space<hbm>> -> memref<128x16xf32, #tpu.memory_space<hbm>>
      tpu.enqueue_dma source(%arg6 : memref<128x16xf32, #tpu.memory_space<vmem>>) target(%dma_start3A_64 : memref<128x16xf32, #tpu.memory_space<hbm>>) target_semaphore(%run_scoped3A : memref<!tpu.dma_semaphore, #tpu.memory_space<semaphore_mem>>)
      %dma_wait3A = arith.constant 0 : i32
      %dma_wait3A_65 = tpu.memref_slice %arg3[%add3A_61, %dma_wait3A] : memref<20480x16xf32, #tpu.memory_space<hbm>> -> memref<128x16xf32, #tpu.memory_space<hbm>>
      %dma_wait3A_66 = arith.constant 0 : i32
      %dma_wait3A_67 = tpu.memref_slice %arg3[%add3A_61, %dma_wait3A_66] : memref<20480x16xf32, #tpu.memory_space<hbm>> -> memref<128x16xf32, #tpu.memory_space<hbm>>
      tpu.wait_dma2 semaphore(%run_scoped3A : memref<!tpu.dma_semaphore, #tpu.memory_space<semaphore_mem>>) src(%arg6 : memref<128x16xf32, #tpu.memory_space<vmem>>) dst(%dma_wait3A_67 : memref<128x16xf32, #tpu.memory_space<hbm>>)
      tpu.yield
    }) : () -> ()
    return
  }
}

#map = affine_map<(d0, d1) -> (0, 0)>
module attributes {stable_mosaic.version = 14 : i64} {
  func.func @_prop_body(%arg0: i32, %arg1: i32, %arg2: memref<5120x128xi32, #tpu.memory_space<hbm>>, %arg3: memref<5120x128xi32, #tpu.memory_space<hbm>>, %arg4: memref<20000x64xf32, #tpu.memory_space<hbm>>, %arg5: memref<20000x64xf32, #tpu.memory_space<hbm>>, %arg6: memref<20480x64xf32, #tpu.memory_space<hbm>>, %arg7: memref<20480x64xf32, #tpu.memory_space<hbm>>, %arg8: memref<160x128xi32, #tpu.memory_space<vmem>>, %arg9: memref<160x128xi32, #tpu.memory_space<vmem>>, %arg10: memref<128x64xf32, #tpu.memory_space<vmem>>, %arg11: memref<128x64xf32, #tpu.memory_space<vmem>>, %arg12: memref<128x64xf32, #tpu.memory_space<vmem>>, %arg13: memref<128x64xf32, #tpu.memory_space<vmem>>, %arg14: memref<10240x64xf32, #tpu.memory_space<vmem_shared>>, %arg15: memref<!tpu.dma_semaphore, #tpu.memory_space<semaphore_mem>>, %arg16: memref<!tpu.dma_semaphore, #tpu.memory_space<semaphore_mem>>) attributes {dimension_semantics = [#tpu.dimension_semantics<core_parallel>, #tpu.dimension_semantics<subcore_parallel>], iteration_bounds = array<i64: 2, 16>, scalar_prefetch = 0 : i64, scratch_operands = 9 : i64, tpu.core_type = #tpu.core_type<sc_vector_subcore>, window_params = [{transform_indices = #map}, {transform_indices = #map}, {transform_indices = #map}, {transform_indices = #map}, {transform_indices = #map}, {transform_indices = #map}]} {
    %mul3A = arith.constant 16 : i32
    %mul3A_0 = arith.muli %arg0, %mul3A : i32
    %add3A = arith.addi %mul3A_0, %arg1 : i32
    %mul3A_1 = arith.constant 160 : i32
    %mul3A_2 = arith.muli %add3A, %mul3A_1 : i32
    "tpu.region"() ({
      %run_scoped3A = tpu.sem_alloc : memref<!tpu.dma_semaphore, #tpu.memory_space<semaphore_mem>>
      %dma_start3A_130 = arith.constant 0 : i32
      %dma_start3A_131 = tpu.memref_slice %arg2[%mul3A_2, %dma_start3A_130] : memref<5120x128xi32, #tpu.memory_space<hbm>> -> memref<160x128xi32, #tpu.memory_space<hbm>>
      %dma_start3A_132 = arith.constant 0 : i32
      %dma_start3A_133 = tpu.memref_slice %arg2[%mul3A_2, %dma_start3A_132] : memref<5120x128xi32, #tpu.memory_space<hbm>> -> memref<160x128xi32, #tpu.memory_space<hbm>>
      tpu.enqueue_dma source(%dma_start3A_133 : memref<160x128xi32, #tpu.memory_space<hbm>>) target(%arg8 : memref<160x128xi32, #tpu.memory_space<vmem>>) target_semaphore(%run_scoped3A : memref<!tpu.dma_semaphore, #tpu.memory_space<semaphore_mem>>)
      %dma_wait3A = arith.constant 0 : i32
      %dma_wait3A_134 = tpu.memref_slice %arg2[%mul3A_2, %dma_wait3A] : memref<5120x128xi32, #tpu.memory_space<hbm>> -> memref<160x128xi32, #tpu.memory_space<hbm>>
      %dma_wait3A_135 = arith.constant 0 : i32
      %dma_wait3A_136 = tpu.memref_slice %arg2[%mul3A_2, %dma_wait3A_135] : memref<5120x128xi32, #tpu.memory_space<hbm>> -> memref<160x128xi32, #tpu.memory_space<hbm>>
      tpu.wait_dma2 semaphore(%run_scoped3A : memref<!tpu.dma_semaphore, #tpu.memory_space<semaphore_mem>>) src(%dma_wait3A_136 : memref<160x128xi32, #tpu.memory_space<hbm>>) dst(%arg8 : memref<160x128xi32, #tpu.memory_space<vmem>>)
      tpu.yield
    }) : () -> ()
    %mul3A_3 = arith.constant 160 : i32
    %mul3A_4 = arith.muli %add3A, %mul3A_3 : i32
    "tpu.region"() ({
      %run_scoped3A = tpu.sem_alloc : memref<!tpu.dma_semaphore, #tpu.memory_space<semaphore_mem>>
      %dma_start3A_130 = arith.constant 0 : i32
      %dma_start3A_131 = tpu.memref_slice %arg3[%mul3A_4, %dma_start3A_130] : memref<5120x128xi32, #tpu.memory_space<hbm>> -> memref<160x128xi32, #tpu.memory_space<hbm>>
      %dma_start3A_132 = arith.constant 0 : i32
      %dma_start3A_133 = tpu.memref_slice %arg3[%mul3A_4, %dma_start3A_132] : memref<5120x128xi32, #tpu.memory_space<hbm>> -> memref<160x128xi32, #tpu.memory_space<hbm>>
      tpu.enqueue_dma source(%dma_start3A_133 : memref<160x128xi32, #tpu.memory_space<hbm>>) target(%arg9 : memref<160x128xi32, #tpu.memory_space<vmem>>) target_semaphore(%run_scoped3A : memref<!tpu.dma_semaphore, #tpu.memory_space<semaphore_mem>>)
      %dma_wait3A = arith.constant 0 : i32
      %dma_wait3A_134 = tpu.memref_slice %arg3[%mul3A_4, %dma_wait3A] : memref<5120x128xi32, #tpu.memory_space<hbm>> -> memref<160x128xi32, #tpu.memory_space<hbm>>
      %dma_wait3A_135 = arith.constant 0 : i32
      %dma_wait3A_136 = tpu.memref_slice %arg3[%mul3A_4, %dma_wait3A_135] : memref<5120x128xi32, #tpu.memory_space<hbm>> -> memref<160x128xi32, #tpu.memory_space<hbm>>
      tpu.wait_dma2 semaphore(%run_scoped3A : memref<!tpu.dma_semaphore, #tpu.memory_space<semaphore_mem>>) src(%dma_wait3A_136 : memref<160x128xi32, #tpu.memory_space<hbm>>) dst(%arg9 : memref<160x128xi32, #tpu.memory_space<vmem>>)
      tpu.yield
    }) : () -> ()
    %scan3A = arith.constant 0 : i32
    %scan3A_5 = arith.constant 0 : i32
    %scan3A_6 = arith.constant 128 : i32
    %scan3A_7 = arith.addi %scan3A_5, %scan3A_6 : i32
    %scan3A_8 = arith.constant 1 : i32
    scf.for %scan3A_130 = %scan3A_5 to %scan3A_7 step %scan3A_8  : i32 {
      %broadcast_in_dim3A = arith.constant 0.000000e+00 : f32
      %broadcast_in_dim3A_131 = vector.broadcast %broadcast_in_dim3A : f32 to vector<16xf32>
      %swap3A = arith.index_cast %scan3A_130 : i32 to index
      %swap3A_132 = arith.constant 0 : index
      %swap3A_133 = tpu.vector_load %arg13[%swap3A, %swap3A_132] {strides = array<i32>} : memref<128x64xf32, #tpu.memory_space<vmem>>, vector<1x16xf32>,
      %swap3A_134 = vector.shape_cast %swap3A_133 : vector<1x16xf32> to vector<16xf32>
      %swap3A_135 = vector.shape_cast %broadcast_in_dim3A_131 : vector<16xf32> to vector<1x16xf32>
      tpu.vector_store %arg13[%swap3A, %swap3A_132], %swap3A_135 {strides = array<i32>} : memref<128x64xf32, #tpu.memory_space<vmem>>, vector<1x16xf32>,
      %broadcast_in_dim3A_136 = arith.constant 0.000000e+00 : f32
      %broadcast_in_dim3A_137 = vector.broadcast %broadcast_in_dim3A_136 : f32 to vector<16xf32>
      %swap3A_138 = arith.index_cast %scan3A_130 : i32 to index
      %swap3A_139 = arith.constant 16 : index
      %swap3A_140 = tpu.vector_load %arg13[%swap3A_138, %swap3A_139] {strides = array<i32>} : memref<128x64xf32, #tpu.memory_space<vmem>>, vector<1x16xf32>,
      %swap3A_141 = vector.shape_cast %swap3A_140 : vector<1x16xf32> to vector<16xf32>
      %swap3A_142 = vector.shape_cast %broadcast_in_dim3A_137 : vector<16xf32> to vector<1x16xf32>
      tpu.vector_store %arg13[%swap3A_138, %swap3A_139], %swap3A_142 {strides = array<i32>} : memref<128x64xf32, #tpu.memory_space<vmem>>, vector<1x16xf32>,
      %broadcast_in_dim3A_143 = arith.constant 0.000000e+00 : f32
      %broadcast_in_dim3A_144 = vector.broadcast %broadcast_in_dim3A_143 : f32 to vector<16xf32>
      %swap3A_145 = arith.index_cast %scan3A_130 : i32 to index
      %swap3A_146 = arith.constant 32 : index
      %swap3A_147 = tpu.vector_load %arg13[%swap3A_145, %swap3A_146] {strides = array<i32>} : memref<128x64xf32, #tpu.memory_space<vmem>>, vector<1x16xf32>,
      %swap3A_148 = vector.shape_cast %swap3A_147 : vector<1x16xf32> to vector<16xf32>
      %swap3A_149 = vector.shape_cast %broadcast_in_dim3A_144 : vector<16xf32> to vector<1x16xf32>
      tpu.vector_store %arg13[%swap3A_145, %swap3A_146], %swap3A_149 {strides = array<i32>} : memref<128x64xf32, #tpu.memory_space<vmem>>, vector<1x16xf32>,
      %broadcast_in_dim3A_150 = arith.constant 0.000000e+00 : f32
      %broadcast_in_dim3A_151 = vector.broadcast %broadcast_in_dim3A_150 : f32 to vector<16xf32>
      %swap3A_152 = arith.index_cast %scan3A_130 : i32 to index
      %swap3A_153 = arith.constant 48 : index
      %swap3A_154 = tpu.vector_load %arg13[%swap3A_152, %swap3A_153] {strides = array<i32>} : memref<128x64xf32, #tpu.memory_space<vmem>>, vector<1x16xf32>,
      %swap3A_155 = vector.shape_cast %swap3A_154 : vector<1x16xf32> to vector<16xf32>
      %swap3A_156 = vector.shape_cast %broadcast_in_dim3A_151 : vector<16xf32> to vector<1x16xf32>
      tpu.vector_store %arg13[%swap3A_152, %swap3A_153], %swap3A_156 {strides = array<i32>} : memref<128x64xf32, #tpu.memory_space<vmem>>, vector<1x16xf32>,
    }
    %scan3A_9 = arith.constant 128 : i32
    %mul3A_10 = arith.constant 640 : i32
    %mul3A_11 = arith.muli %arg1, %mul3A_10 : i32
    %add3A_12 = arith.constant 0 : i32
    %add3A_13 = arith.addi %mul3A_11, %add3A_12 : i32
    "tpu.region"() ({
      %run_scoped3A = tpu.sem_alloc : memref<!tpu.dma_semaphore, #tpu.memory_space<semaphore_mem>>
      %dma_start3A_130 = arith.constant 0 : i32
      %dma_start3A_131 = tpu.memref_slice %arg14[%add3A_13, %dma_start3A_130] : memref<10240x64xf32, #tpu.memory_space<vmem_shared>> -> memref<128x64xf32, #tpu.memory_space<vmem_shared>>
      %dma_start3A_132 = arith.constant 0 : i32
      %dma_start3A_133 = tpu.memref_slice %arg14[%add3A_13, %dma_start3A_132] : memref<10240x64xf32, #tpu.memory_space<vmem_shared>> -> memref<128x64xf32, #tpu.memory_space<vmem_shared>>
      tpu.enqueue_dma source(%arg13 : memref<128x64xf32, #tpu.memory_space<vmem>>) target(%dma_start3A_133 : memref<128x64xf32, #tpu.memory_space<vmem_shared>>) target_semaphore(%run_scoped3A : memref<!tpu.dma_semaphore, #tpu.memory_space<semaphore_mem>>)
      %dma_wait3A = arith.constant 0 : i32
      %dma_wait3A_134 = tpu.memref_slice %arg14[%add3A_13, %dma_wait3A] : memref<10240x64xf32, #tpu.memory_space<vmem_shared>> -> memref<128x64xf32, #tpu.memory_space<vmem_shared>>
      %dma_wait3A_135 = arith.constant 0 : i32
      %dma_wait3A_136 = tpu.memref_slice %arg14[%add3A_13, %dma_wait3A_135] : memref<10240x64xf32, #tpu.memory_space<vmem_shared>> -> memref<128x64xf32, #tpu.memory_space<vmem_shared>>
      tpu.wait_dma2 semaphore(%run_scoped3A : memref<!tpu.dma_semaphore, #tpu.memory_space<semaphore_mem>>) src(%arg13 : memref<128x64xf32, #tpu.memory_space<vmem>>) dst(%dma_wait3A_136 : memref<128x64xf32, #tpu.memory_space<vmem_shared>>)
      tpu.yield
    }) : () -> ()
    %add3A_14 = arith.constant 128 : i32
    %add3A_15 = arith.addi %mul3A_11, %add3A_14 : i32
    "tpu.region"() ({
      %run_scoped3A = tpu.sem_alloc : memref<!tpu.dma_semaphore, #tpu.memory_space<semaphore_mem>>
      %dma_start3A_130 = arith.constant 0 : i32
      %dma_start3A_131 = tpu.memref_slice %arg14[%add3A_15, %dma_start3A_130] : memref<10240x64xf32, #tpu.memory_space<vmem_shared>> -> memref<128x64xf32, #tpu.memory_space<vmem_shared>>
      %dma_start3A_132 = arith.constant 0 : i32
      %dma_start3A_133 = tpu.memref_slice %arg14[%add3A_15, %dma_start3A_132] : memref<10240x64xf32, #tpu.memory_space<vmem_shared>> -> memref<128x64xf32, #tpu.memory_space<vmem_shared>>
      tpu.enqueue_dma source(%arg13 : memref<128x64xf32, #tpu.memory_space<vmem>>) target(%dma_start3A_133 : memref<128x64xf32, #tpu.memory_space<vmem_shared>>) target_semaphore(%run_scoped3A : memref<!tpu.dma_semaphore, #tpu.memory_space<semaphore_mem>>)
      %dma_wait3A = arith.constant 0 : i32
      %dma_wait3A_134 = tpu.memref_slice %arg14[%add3A_15, %dma_wait3A] : memref<10240x64xf32, #tpu.memory_space<vmem_shared>> -> memref<128x64xf32, #tpu.memory_space<vmem_shared>>
      %dma_wait3A_135 = arith.constant 0 : i32
      %dma_wait3A_136 = tpu.memref_slice %arg14[%add3A_15, %dma_wait3A_135] : memref<10240x64xf32, #tpu.memory_space<vmem_shared>> -> memref<128x64xf32, #tpu.memory_space<vmem_shared>>
      tpu.wait_dma2 semaphore(%run_scoped3A : memref<!tpu.dma_semaphore, #tpu.memory_space<semaphore_mem>>) src(%arg13 : memref<128x64xf32, #tpu.memory_space<vmem>>) dst(%dma_wait3A_136 : memref<128x64xf32, #tpu.memory_space<vmem_shared>>)
      tpu.yield
    }) : () -> ()
    %add3A_16 = arith.constant 256 : i32
    %add3A_17 = arith.addi %mul3A_11, %add3A_16 : i32
    "tpu.region"() ({
      %run_scoped3A = tpu.sem_alloc : memref<!tpu.dma_semaphore, #tpu.memory_space<semaphore_mem>>
      %dma_start3A_130 = arith.constant 0 : i32
      %dma_start3A_131 = tpu.memref_slice %arg14[%add3A_17, %dma_start3A_130] : memref<10240x64xf32, #tpu.memory_space<vmem_shared>> -> memref<128x64xf32, #tpu.memory_space<vmem_shared>>
      %dma_start3A_132 = arith.constant 0 : i32
      %dma_start3A_133 = tpu.memref_slice %arg14[%add3A_17, %dma_start3A_132] : memref<10240x64xf32, #tpu.memory_space<vmem_shared>> -> memref<128x64xf32, #tpu.memory_space<vmem_shared>>
      tpu.enqueue_dma source(%arg13 : memref<128x64xf32, #tpu.memory_space<vmem>>) target(%dma_start3A_133 : memref<128x64xf32, #tpu.memory_space<vmem_shared>>) target_semaphore(%run_scoped3A : memref<!tpu.dma_semaphore, #tpu.memory_space<semaphore_mem>>)
      %dma_wait3A = arith.constant 0 : i32
      %dma_wait3A_134 = tpu.memref_slice %arg14[%add3A_17, %dma_wait3A] : memref<10240x64xf32, #tpu.memory_space<vmem_shared>> -> memref<128x64xf32, #tpu.memory_space<vmem_shared>>
      %dma_wait3A_135 = arith.constant 0 : i32
      %dma_wait3A_136 = tpu.memref_slice %arg14[%add3A_17, %dma_wait3A_135] : memref<10240x64xf32, #tpu.memory_space<vmem_shared>> -> memref<128x64xf32, #tpu.memory_space<vmem_shared>>
      tpu.wait_dma2 semaphore(%run_scoped3A : memref<!tpu.dma_semaphore, #tpu.memory_space<semaphore_mem>>) src(%arg13 : memref<128x64xf32, #tpu.memory_space<vmem>>) dst(%dma_wait3A_136 : memref<128x64xf32, #tpu.memory_space<vmem_shared>>)
      tpu.yield
    }) : () -> ()
    %add3A_18 = arith.constant 384 : i32
    %add3A_19 = arith.addi %mul3A_11, %add3A_18 : i32
    "tpu.region"() ({
      %run_scoped3A = tpu.sem_alloc : memref<!tpu.dma_semaphore, #tpu.memory_space<semaphore_mem>>
      %dma_start3A_130 = arith.constant 0 : i32
      %dma_start3A_131 = tpu.memref_slice %arg14[%add3A_19, %dma_start3A_130] : memref<10240x64xf32, #tpu.memory_space<vmem_shared>> -> memref<128x64xf32, #tpu.memory_space<vmem_shared>>
      %dma_start3A_132 = arith.constant 0 : i32
      %dma_start3A_133 = tpu.memref_slice %arg14[%add3A_19, %dma_start3A_132] : memref<10240x64xf32, #tpu.memory_space<vmem_shared>> -> memref<128x64xf32, #tpu.memory_space<vmem_shared>>
      tpu.enqueue_dma source(%arg13 : memref<128x64xf32, #tpu.memory_space<vmem>>) target(%dma_start3A_133 : memref<128x64xf32, #tpu.memory_space<vmem_shared>>) target_semaphore(%run_scoped3A : memref<!tpu.dma_semaphore, #tpu.memory_space<semaphore_mem>>)
      %dma_wait3A = arith.constant 0 : i32
      %dma_wait3A_134 = tpu.memref_slice %arg14[%add3A_19, %dma_wait3A] : memref<10240x64xf32, #tpu.memory_space<vmem_shared>> -> memref<128x64xf32, #tpu.memory_space<vmem_shared>>
      %dma_wait3A_135 = arith.constant 0 : i32
      %dma_wait3A_136 = tpu.memref_slice %arg14[%add3A_19, %dma_wait3A_135] : memref<10240x64xf32, #tpu.memory_space<vmem_shared>> -> memref<128x64xf32, #tpu.memory_space<vmem_shared>>
      tpu.wait_dma2 semaphore(%run_scoped3A : memref<!tpu.dma_semaphore, #tpu.memory_space<semaphore_mem>>) src(%arg13 : memref<128x64xf32, #tpu.memory_space<vmem>>) dst(%dma_wait3A_136 : memref<128x64xf32, #tpu.memory_space<vmem_shared>>)
      tpu.yield
    }) : () -> ()
    %add3A_20 = arith.constant 512 : i32
    %add3A_21 = arith.addi %mul3A_11, %add3A_20 : i32
    "tpu.region"() ({
      %run_scoped3A = tpu.sem_alloc : memref<!tpu.dma_semaphore, #tpu.memory_space<semaphore_mem>>
      %dma_start3A_130 = arith.constant 0 : i32
      %dma_start3A_131 = tpu.memref_slice %arg14[%add3A_21, %dma_start3A_130] : memref<10240x64xf32, #tpu.memory_space<vmem_shared>> -> memref<128x64xf32, #tpu.memory_space<vmem_shared>>
      %dma_start3A_132 = arith.constant 0 : i32
      %dma_start3A_133 = tpu.memref_slice %arg14[%add3A_21, %dma_start3A_132] : memref<10240x64xf32, #tpu.memory_space<vmem_shared>> -> memref<128x64xf32, #tpu.memory_space<vmem_shared>>
      tpu.enqueue_dma source(%arg13 : memref<128x64xf32, #tpu.memory_space<vmem>>) target(%dma_start3A_133 : memref<128x64xf32, #tpu.memory_space<vmem_shared>>) target_semaphore(%run_scoped3A : memref<!tpu.dma_semaphore, #tpu.memory_space<semaphore_mem>>)
      %dma_wait3A = arith.constant 0 : i32
      %dma_wait3A_134 = tpu.memref_slice %arg14[%add3A_21, %dma_wait3A] : memref<10240x64xf32, #tpu.memory_space<vmem_shared>> -> memref<128x64xf32, #tpu.memory_space<vmem_shared>>
      %dma_wait3A_135 = arith.constant 0 : i32
      %dma_wait3A_136 = tpu.memref_slice %arg14[%add3A_21, %dma_wait3A_135] : memref<10240x64xf32, #tpu.memory_space<vmem_shared>> -> memref<128x64xf32, #tpu.memory_space<vmem_shared>>
      tpu.wait_dma2 semaphore(%run_scoped3A : memref<!tpu.dma_semaphore, #tpu.memory_space<semaphore_mem>>) src(%arg13 : memref<128x64xf32, #tpu.memory_space<vmem>>) dst(%dma_wait3A_136 : memref<128x64xf32, #tpu.memory_space<vmem_shared>>)
      tpu.yield
    }) : () -> ()
    %barrier3A = arith.constant 0 : index
    tpu.barrier barrier_id(%barrier3A)
    %dma_start3A = arith.constant 0 : i32
    %dma_start3A_22 = arith.constant 0 : i32
    %dma_start3A_23 = tpu.memref_slice %arg8[%dma_start3A, %dma_start3A_22] : memref<160x128xi32, #tpu.memory_space<vmem>> -> memref<1x128xi32, #tpu.memory_space<vmem>>
    %dma_start3A_24 = tpu.memref_squeeze %dma_start3A_23 : memref<1x128xi32, #tpu.memory_space<vmem>> -> memref<128xi32, #tpu.memory_space<vmem>>
    %dma_start3A_25 = arith.constant 0 : i32
    %dma_start3A_26 = arith.constant 0 : i32
    %dma_start3A_27 = tpu.memref_slice %arg4[%dma_start3A_25, %dma_start3A_26] : memref<20000x64xf32, #tpu.memory_space<hbm>> -> memref<20000x64xf32, #tpu.memory_space<hbm>>
    tpu.enqueue_indirect_dma source(%dma_start3A_27 : memref<20000x64xf32, #tpu.memory_space<hbm>>) target(%arg10 : memref<128x64xf32, #tpu.memory_space<vmem>>) offsets(%dma_start3A_24 : memref<128xi32, #tpu.memory_space<vmem>>) semaphore(%arg15 : memref<!tpu.dma_semaphore, #tpu.memory_space<semaphore_mem>>)
    %scan3A_28 = arith.constant 0 : i32
    %scan3A_29 = arith.constant 0 : i32
    %scan3A_30 = arith.constant 80 : i32
    %scan3A_31 = arith.addi %scan3A_29, %scan3A_30 : i32
    %scan3A_32 = arith.constant 1 : i32
    scf.for %scan3A_130 = %scan3A_29 to %scan3A_31 step %scan3A_32  : i32 {
      %mul3A_131 = arith.constant 2 : i32
      %mul3A_132 = arith.muli %mul3A_131, %scan3A_130 : i32
      %add3A_133 = arith.constant 1 : i32
      %add3A_134 = arith.addi %mul3A_132, %add3A_133 : i32
      %dma_start3A_135 = arith.constant 0 : i32
      %dma_start3A_136 = tpu.memref_slice %arg8[%add3A_134, %dma_start3A_135] : memref<160x128xi32, #tpu.memory_space<vmem>> -> memref<1x128xi32, #tpu.memory_space<vmem>>
      %dma_start3A_137 = tpu.memref_squeeze %dma_start3A_136 : memref<1x128xi32, #tpu.memory_space<vmem>> -> memref<128xi32, #tpu.memory_space<vmem>>
      %dma_start3A_138 = arith.constant 0 : i32
      %dma_start3A_139 = arith.constant 0 : i32
      %dma_start3A_140 = tpu.memref_slice %arg4[%dma_start3A_138, %dma_start3A_139] : memref<20000x64xf32, #tpu.memory_space<hbm>> -> memref<20000x64xf32, #tpu.memory_space<hbm>>
      tpu.enqueue_indirect_dma source(%dma_start3A_140 : memref<20000x64xf32, #tpu.memory_space<hbm>>) target(%arg11 : memref<128x64xf32, #tpu.memory_space<vmem>>) offsets(%dma_start3A_137 : memref<128xi32, #tpu.memory_space<vmem>>) semaphore(%arg16 : memref<!tpu.dma_semaphore, #tpu.memory_space<semaphore_mem>>)
      %dma_wait3A = arith.constant 0 : i32
      %dma_wait3A_141 = tpu.memref_slice %arg8[%mul3A_132, %dma_wait3A] : memref<160x128xi32, #tpu.memory_space<vmem>> -> memref<1x128xi32, #tpu.memory_space<vmem>>
      %dma_wait3A_142 = tpu.memref_squeeze %dma_wait3A_141 : memref<1x128xi32, #tpu.memory_space<vmem>> -> memref<128xi32, #tpu.memory_space<vmem>>
      %dma_wait3A_143 = arith.constant 0 : i32
      %dma_wait3A_144 = arith.constant 0 : i32
      %dma_wait3A_145 = tpu.memref_slice %arg4[%dma_wait3A_143, %dma_wait3A_144] : memref<20000x64xf32, #tpu.memory_space<hbm>> -> memref<20000x64xf32, #tpu.memory_space<hbm>>
      tpu.wait_indirect_dma semaphore(%arg15 : memref<!tpu.dma_semaphore, #tpu.memory_space<semaphore_mem>>) src(%dma_wait3A_145 : memref<20000x64xf32, #tpu.memory_space<hbm>>) dst(%arg10 : memref<128x64xf32, #tpu.memory_space<vmem>>)
      "tpu.region"() ({
        %run_scoped3A = tpu.sem_alloc : memref<!tpu.dma_semaphore, #tpu.memory_space<semaphore_mem>>
        %dma_start3A_154 = arith.constant 0 : i32
        %dma_start3A_155 = tpu.memref_slice %arg9[%mul3A_132, %dma_start3A_154] : memref<160x128xi32, #tpu.memory_space<vmem>> -> memref<1x128xi32, #tpu.memory_space<vmem>>
        %dma_start3A_156 = tpu.memref_squeeze %dma_start3A_155 : memref<1x128xi32, #tpu.memory_space<vmem>> -> memref<128xi32, #tpu.memory_space<vmem>>
        %dma_start3A_157 = arith.constant 0 : i32
        %dma_start3A_158 = arith.constant 0 : i32
        %dma_start3A_159 = tpu.memref_slice %arg14[%dma_start3A_157, %dma_start3A_158] : memref<10240x64xf32, #tpu.memory_space<vmem_shared>> -> memref<10240x64xf32, #tpu.memory_space<vmem_shared>>
        tpu.enqueue_indirect_dma source(%arg10 : memref<128x64xf32, #tpu.memory_space<vmem>>) target(%dma_start3A_159 : memref<10240x64xf32, #tpu.memory_space<vmem_shared>>) offsets(%dma_start3A_156 : memref<128xi32, #tpu.memory_space<vmem>>) semaphore(%run_scoped3A : memref<!tpu.dma_semaphore, #tpu.memory_space<semaphore_mem>>) {add = true}
        %dma_wait3A_160 = arith.constant 0 : i32
        %dma_wait3A_161 = tpu.memref_slice %arg9[%mul3A_132, %dma_wait3A_160] : memref<160x128xi32, #tpu.memory_space<vmem>> -> memref<1x128xi32, #tpu.memory_space<vmem>>
        %dma_wait3A_162 = tpu.memref_squeeze %dma_wait3A_161 : memref<1x128xi32, #tpu.memory_space<vmem>> -> memref<128xi32, #tpu.memory_space<vmem>>
        %dma_wait3A_163 = arith.constant 0 : i32
        %dma_wait3A_164 = arith.constant 0 : i32
        %dma_wait3A_165 = tpu.memref_slice %arg14[%dma_wait3A_163, %dma_wait3A_164] : memref<10240x64xf32, #tpu.memory_space<vmem_shared>> -> memref<10240x64xf32, #tpu.memory_space<vmem_shared>>
        tpu.wait_indirect_dma semaphore(%run_scoped3A : memref<!tpu.dma_semaphore, #tpu.memory_space<semaphore_mem>>) src(%arg10 : memref<128x64xf32, #tpu.memory_space<vmem>>) dst(%dma_wait3A_165 : memref<10240x64xf32, #tpu.memory_space<vmem_shared>>)
        tpu.yield
      }) : () -> ()
      %lt3A = arith.constant 79 : i32
      %lt3A_146 = arith.cmpi slt, %scan3A_130, %lt3A : i32
      %convert_element_type3A = arith.extui %lt3A_146 : i1 to i32
      %cond3A = arith.constant 0 : i32
      %cond3A_147 = arith.cmpi ne, %convert_element_type3A, %cond3A : i32
      scf.if %cond3A_147 {
        %add3A_154 = arith.constant 2 : i32
        %add3A_155 = arith.addi %mul3A_132, %add3A_154 : i32
        %dma_start3A_156 = arith.constant 0 : i32
        %dma_start3A_157 = tpu.memref_slice %arg8[%add3A_155, %dma_start3A_156] : memref<160x128xi32, #tpu.memory_space<vmem>> -> memref<1x128xi32, #tpu.memory_space<vmem>>
        %dma_start3A_158 = tpu.memref_squeeze %dma_start3A_157 : memref<1x128xi32, #tpu.memory_space<vmem>> -> memref<128xi32, #tpu.memory_space<vmem>>
        %dma_start3A_159 = arith.constant 0 : i32
        %dma_start3A_160 = arith.constant 0 : i32
        %dma_start3A_161 = tpu.memref_slice %arg4[%dma_start3A_159, %dma_start3A_160] : memref<20000x64xf32, #tpu.memory_space<hbm>> -> memref<20000x64xf32, #tpu.memory_space<hbm>>
        tpu.enqueue_indirect_dma source(%dma_start3A_161 : memref<20000x64xf32, #tpu.memory_space<hbm>>) target(%arg10 : memref<128x64xf32, #tpu.memory_space<vmem>>) offsets(%dma_start3A_158 : memref<128xi32, #tpu.memory_space<vmem>>) semaphore(%arg15 : memref<!tpu.dma_semaphore, #tpu.memory_space<semaphore_mem>>)
      } else {
      }
      %dma_wait3A_148 = arith.constant 0 : i32
      %dma_wait3A_149 = tpu.memref_slice %arg8[%add3A_134, %dma_wait3A_148] : memref<160x128xi32, #tpu.memory_space<vmem>> -> memref<1x128xi32, #tpu.memory_space<vmem>>
      %dma_wait3A_150 = tpu.memref_squeeze %dma_wait3A_149 : memref<1x128xi32, #tpu.memory_space<vmem>> -> memref<128xi32, #tpu.memory_space<vmem>>
      %dma_wait3A_151 = arith.constant 0 : i32
      %dma_wait3A_152 = arith.constant 0 : i32
      %dma_wait3A_153 = tpu.memref_slice %arg4[%dma_wait3A_151, %dma_wait3A_152] : memref<20000x64xf32, #tpu.memory_space<hbm>> -> memref<20000x64xf32, #tpu.memory_space<hbm>>
      tpu.wait_indirect_dma semaphore(%arg16 : memref<!tpu.dma_semaphore, #tpu.memory_space<semaphore_mem>>) src(%dma_wait3A_153 : memref<20000x64xf32, #tpu.memory_space<hbm>>) dst(%arg11 : memref<128x64xf32, #tpu.memory_space<vmem>>)
      "tpu.region"() ({
        %run_scoped3A = tpu.sem_alloc : memref<!tpu.dma_semaphore, #tpu.memory_space<semaphore_mem>>
        %dma_start3A_154 = arith.constant 0 : i32
        %dma_start3A_155 = tpu.memref_slice %arg9[%add3A_134, %dma_start3A_154] : memref<160x128xi32, #tpu.memory_space<vmem>> -> memref<1x128xi32, #tpu.memory_space<vmem>>
        %dma_start3A_156 = tpu.memref_squeeze %dma_start3A_155 : memref<1x128xi32, #tpu.memory_space<vmem>> -> memref<128xi32, #tpu.memory_space<vmem>>
        %dma_start3A_157 = arith.constant 0 : i32
        %dma_start3A_158 = arith.constant 0 : i32
        %dma_start3A_159 = tpu.memref_slice %arg14[%dma_start3A_157, %dma_start3A_158] : memref<10240x64xf32, #tpu.memory_space<vmem_shared>> -> memref<10240x64xf32, #tpu.memory_space<vmem_shared>>
        tpu.enqueue_indirect_dma source(%arg11 : memref<128x64xf32, #tpu.memory_space<vmem>>) target(%dma_start3A_159 : memref<10240x64xf32, #tpu.memory_space<vmem_shared>>) offsets(%dma_start3A_156 : memref<128xi32, #tpu.memory_space<vmem>>) semaphore(%run_scoped3A : memref<!tpu.dma_semaphore, #tpu.memory_space<semaphore_mem>>) {add = true}
        %dma_wait3A_160 = arith.constant 0 : i32
        %dma_wait3A_161 = tpu.memref_slice %arg9[%add3A_134, %dma_wait3A_160] : memref<160x128xi32, #tpu.memory_space<vmem>> -> memref<1x128xi32, #tpu.memory_space<vmem>>
        %dma_wait3A_162 = tpu.memref_squeeze %dma_wait3A_161 : memref<1x128xi32, #tpu.memory_space<vmem>> -> memref<128xi32, #tpu.memory_space<vmem>>
        %dma_wait3A_163 = arith.constant 0 : i32
        %dma_wait3A_164 = arith.constant 0 : i32
        %dma_wait3A_165 = tpu.memref_slice %arg14[%dma_wait3A_163, %dma_wait3A_164] : memref<10240x64xf32, #tpu.memory_space<vmem_shared>> -> memref<10240x64xf32, #tpu.memory_space<vmem_shared>>
        tpu.wait_indirect_dma semaphore(%run_scoped3A : memref<!tpu.dma_semaphore, #tpu.memory_space<semaphore_mem>>) src(%arg11 : memref<128x64xf32, #tpu.memory_space<vmem>>) dst(%dma_wait3A_165 : memref<10240x64xf32, #tpu.memory_space<vmem_shared>>)
        tpu.yield
      }) : () -> ()
    }
    %scan3A_33 = arith.constant 80 : i32
    %barrier3A_34 = arith.constant 0 : index
    tpu.barrier barrier_id(%barrier3A_34)
    %add3A_35 = arith.constant 0 : i32
    %add3A_36 = arith.addi %mul3A_11, %add3A_35 : i32
    "tpu.region"() ({
      %run_scoped3A = tpu.sem_alloc : memref<!tpu.dma_semaphore, #tpu.memory_space<semaphore_mem>>
      %dma_start3A_130 = arith.constant 0 : i32
      %dma_start3A_131 = tpu.memref_slice %arg14[%add3A_36, %dma_start3A_130] : memref<10240x64xf32, #tpu.memory_space<vmem_shared>> -> memref<128x64xf32, #tpu.memory_space<vmem_shared>>
      %dma_start3A_132 = arith.constant 0 : i32
      %dma_start3A_133 = tpu.memref_slice %arg14[%add3A_36, %dma_start3A_132] : memref<10240x64xf32, #tpu.memory_space<vmem_shared>> -> memref<128x64xf32, #tpu.memory_space<vmem_shared>>
      tpu.enqueue_dma source(%dma_start3A_133 : memref<128x64xf32, #tpu.memory_space<vmem_shared>>) target(%arg12 : memref<128x64xf32, #tpu.memory_space<vmem>>) target_semaphore(%run_scoped3A : memref<!tpu.dma_semaphore, #tpu.memory_space<semaphore_mem>>)
      %dma_wait3A = arith.constant 0 : i32
      %dma_wait3A_134 = tpu.memref_slice %arg14[%add3A_36, %dma_wait3A] : memref<10240x64xf32, #tpu.memory_space<vmem_shared>> -> memref<128x64xf32, #tpu.memory_space<vmem_shared>>
      %dma_wait3A_135 = arith.constant 0 : i32
      %dma_wait3A_136 = tpu.memref_slice %arg14[%add3A_36, %dma_wait3A_135] : memref<10240x64xf32, #tpu.memory_space<vmem_shared>> -> memref<128x64xf32, #tpu.memory_space<vmem_shared>>
      tpu.wait_dma2 semaphore(%run_scoped3A : memref<!tpu.dma_semaphore, #tpu.memory_space<semaphore_mem>>) src(%dma_wait3A_136 : memref<128x64xf32, #tpu.memory_space<vmem_shared>>) dst(%arg12 : memref<128x64xf32, #tpu.memory_space<vmem>>)
      tpu.yield
    }) : () -> ()
    %mul3A_37 = arith.constant 10240 : i32
    %mul3A_38 = arith.muli %arg0, %mul3A_37 : i32
    %add3A_39 = arith.addi %mul3A_38, %mul3A_11 : i32
    %add3A_40 = arith.constant 0 : i32
    %add3A_41 = arith.addi %add3A_39, %add3A_40 : i32
    "tpu.region"() ({
      %run_scoped3A = tpu.sem_alloc : memref<!tpu.dma_semaphore, #tpu.memory_space<semaphore_mem>>
      %dma_start3A_130 = arith.constant 0 : i32
      %dma_start3A_131 = tpu.memref_slice %arg6[%add3A_41, %dma_start3A_130] : memref<20480x64xf32, #tpu.memory_space<hbm>> -> memref<128x64xf32, #tpu.memory_space<hbm>>
      %dma_start3A_132 = arith.constant 0 : i32
      %dma_start3A_133 = tpu.memref_slice %arg6[%add3A_41, %dma_start3A_132] : memref<20480x64xf32, #tpu.memory_space<hbm>> -> memref<128x64xf32, #tpu.memory_space<hbm>>
      tpu.enqueue_dma source(%arg12 : memref<128x64xf32, #tpu.memory_space<vmem>>) target(%dma_start3A_133 : memref<128x64xf32, #tpu.memory_space<hbm>>) target_semaphore(%run_scoped3A : memref<!tpu.dma_semaphore, #tpu.memory_space<semaphore_mem>>)
      %dma_wait3A = arith.constant 0 : i32
      %dma_wait3A_134 = tpu.memref_slice %arg6[%add3A_41, %dma_wait3A] : memref<20480x64xf32, #tpu.memory_space<hbm>> -> memref<128x64xf32, #tpu.memory_space<hbm>>
      %dma_wait3A_135 = arith.constant 0 : i32
      %dma_wait3A_136 = tpu.memref_slice %arg6[%add3A_41, %dma_wait3A_135] : memref<20480x64xf32, #tpu.memory_space<hbm>> -> memref<128x64xf32, #tpu.memory_space<hbm>>
      tpu.wait_dma2 semaphore(%run_scoped3A : memref<!tpu.dma_semaphore, #tpu.memory_space<semaphore_mem>>) src(%arg12 : memref<128x64xf32, #tpu.memory_space<vmem>>) dst(%dma_wait3A_136 : memref<128x64xf32, #tpu.memory_space<hbm>>)
      tpu.yield
    }) : () -> ()
    %add3A_42 = arith.constant 128 : i32
    %add3A_43 = arith.addi %mul3A_11, %add3A_42 : i32
    "tpu.region"() ({
      %run_scoped3A = tpu.sem_alloc : memref<!tpu.dma_semaphore, #tpu.memory_space<semaphore_mem>>
      %dma_start3A_130 = arith.constant 0 : i32
      %dma_start3A_131 = tpu.memref_slice %arg14[%add3A_43, %dma_start3A_130] : memref<10240x64xf32, #tpu.memory_space<vmem_shared>> -> memref<128x64xf32, #tpu.memory_space<vmem_shared>>
      %dma_start3A_132 = arith.constant 0 : i32
      %dma_start3A_133 = tpu.memref_slice %arg14[%add3A_43, %dma_start3A_132] : memref<10240x64xf32, #tpu.memory_space<vmem_shared>> -> memref<128x64xf32, #tpu.memory_space<vmem_shared>>
      tpu.enqueue_dma source(%dma_start3A_133 : memref<128x64xf32, #tpu.memory_space<vmem_shared>>) target(%arg12 : memref<128x64xf32, #tpu.memory_space<vmem>>) target_semaphore(%run_scoped3A : memref<!tpu.dma_semaphore, #tpu.memory_space<semaphore_mem>>)
      %dma_wait3A = arith.constant 0 : i32
      %dma_wait3A_134 = tpu.memref_slice %arg14[%add3A_43, %dma_wait3A] : memref<10240x64xf32, #tpu.memory_space<vmem_shared>> -> memref<128x64xf32, #tpu.memory_space<vmem_shared>>
      %dma_wait3A_135 = arith.constant 0 : i32
      %dma_wait3A_136 = tpu.memref_slice %arg14[%add3A_43, %dma_wait3A_135] : memref<10240x64xf32, #tpu.memory_space<vmem_shared>> -> memref<128x64xf32, #tpu.memory_space<vmem_shared>>
      tpu.wait_dma2 semaphore(%run_scoped3A : memref<!tpu.dma_semaphore, #tpu.memory_space<semaphore_mem>>) src(%dma_wait3A_136 : memref<128x64xf32, #tpu.memory_space<vmem_shared>>) dst(%arg12 : memref<128x64xf32, #tpu.memory_space<vmem>>)
      tpu.yield
    }) : () -> ()
    %mul3A_44 = arith.constant 10240 : i32
    %mul3A_45 = arith.muli %arg0, %mul3A_44 : i32
    %add3A_46 = arith.addi %mul3A_45, %mul3A_11 : i32
    %add3A_47 = arith.constant 128 : i32
    %add3A_48 = arith.addi %add3A_46, %add3A_47 : i32
    "tpu.region"() ({
      %run_scoped3A = tpu.sem_alloc : memref<!tpu.dma_semaphore, #tpu.memory_space<semaphore_mem>>
      %dma_start3A_130 = arith.constant 0 : i32
      %dma_start3A_131 = tpu.memref_slice %arg6[%add3A_48, %dma_start3A_130] : memref<20480x64xf32, #tpu.memory_space<hbm>> -> memref<128x64xf32, #tpu.memory_space<hbm>>
      %dma_start3A_132 = arith.constant 0 : i32
      %dma_start3A_133 = tpu.memref_slice %arg6[%add3A_48, %dma_start3A_132] : memref<20480x64xf32, #tpu.memory_space<hbm>> -> memref<128x64xf32, #tpu.memory_space<hbm>>
      tpu.enqueue_dma source(%arg12 : memref<128x64xf32, #tpu.memory_space<vmem>>) target(%dma_start3A_133 : memref<128x64xf32, #tpu.memory_space<hbm>>) target_semaphore(%run_scoped3A : memref<!tpu.dma_semaphore, #tpu.memory_space<semaphore_mem>>)
      %dma_wait3A = arith.constant 0 : i32
      %dma_wait3A_134 = tpu.memref_slice %arg6[%add3A_48, %dma_wait3A] : memref<20480x64xf32, #tpu.memory_space<hbm>> -> memref<128x64xf32, #tpu.memory_space<hbm>>
      %dma_wait3A_135 = arith.constant 0 : i32
      %dma_wait3A_136 = tpu.memref_slice %arg6[%add3A_48, %dma_wait3A_135] : memref<20480x64xf32, #tpu.memory_space<hbm>> -> memref<128x64xf32, #tpu.memory_space<hbm>>
      tpu.wait_dma2 semaphore(%run_scoped3A : memref<!tpu.dma_semaphore, #tpu.memory_space<semaphore_mem>>) src(%arg12 : memref<128x64xf32, #tpu.memory_space<vmem>>) dst(%dma_wait3A_136 : memref<128x64xf32, #tpu.memory_space<hbm>>)
      tpu.yield
    }) : () -> ()
    %add3A_49 = arith.constant 256 : i32
    %add3A_50 = arith.addi %mul3A_11, %add3A_49 : i32
    "tpu.region"() ({
      %run_scoped3A = tpu.sem_alloc : memref<!tpu.dma_semaphore, #tpu.memory_space<semaphore_mem>>
      %dma_start3A_130 = arith.constant 0 : i32
      %dma_start3A_131 = tpu.memref_slice %arg14[%add3A_50, %dma_start3A_130] : memref<10240x64xf32, #tpu.memory_space<vmem_shared>> -> memref<128x64xf32, #tpu.memory_space<vmem_shared>>
      %dma_start3A_132 = arith.constant 0 : i32
      %dma_start3A_133 = tpu.memref_slice %arg14[%add3A_50, %dma_start3A_132] : memref<10240x64xf32, #tpu.memory_space<vmem_shared>> -> memref<128x64xf32, #tpu.memory_space<vmem_shared>>
      tpu.enqueue_dma source(%dma_start3A_133 : memref<128x64xf32, #tpu.memory_space<vmem_shared>>) target(%arg12 : memref<128x64xf32, #tpu.memory_space<vmem>>) target_semaphore(%run_scoped3A : memref<!tpu.dma_semaphore, #tpu.memory_space<semaphore_mem>>)
      %dma_wait3A = arith.constant 0 : i32
      %dma_wait3A_134 = tpu.memref_slice %arg14[%add3A_50, %dma_wait3A] : memref<10240x64xf32, #tpu.memory_space<vmem_shared>> -> memref<128x64xf32, #tpu.memory_space<vmem_shared>>
      %dma_wait3A_135 = arith.constant 0 : i32
      %dma_wait3A_136 = tpu.memref_slice %arg14[%add3A_50, %dma_wait3A_135] : memref<10240x64xf32, #tpu.memory_space<vmem_shared>> -> memref<128x64xf32, #tpu.memory_space<vmem_shared>>
      tpu.wait_dma2 semaphore(%run_scoped3A : memref<!tpu.dma_semaphore, #tpu.memory_space<semaphore_mem>>) src(%dma_wait3A_136 : memref<128x64xf32, #tpu.memory_space<vmem_shared>>) dst(%arg12 : memref<128x64xf32, #tpu.memory_space<vmem>>)
      tpu.yield
    }) : () -> ()
    %mul3A_51 = arith.constant 10240 : i32
    %mul3A_52 = arith.muli %arg0, %mul3A_51 : i32
    %add3A_53 = arith.addi %mul3A_52, %mul3A_11 : i32
    %add3A_54 = arith.constant 256 : i32
    %add3A_55 = arith.addi %add3A_53, %add3A_54 : i32
    "tpu.region"() ({
      %run_scoped3A = tpu.sem_alloc : memref<!tpu.dma_semaphore, #tpu.memory_space<semaphore_mem>>
      %dma_start3A_130 = arith.constant 0 : i32
      %dma_start3A_131 = tpu.memref_slice %arg6[%add3A_55, %dma_start3A_130] : memref<20480x64xf32, #tpu.memory_space<hbm>> -> memref<128x64xf32, #tpu.memory_space<hbm>>
      %dma_start3A_132 = arith.constant 0 : i32
      %dma_start3A_133 = tpu.memref_slice %arg6[%add3A_55, %dma_start3A_132] : memref<20480x64xf32, #tpu.memory_space<hbm>> -> memref<128x64xf32, #tpu.memory_space<hbm>>
      tpu.enqueue_dma source(%arg12 : memref<128x64xf32, #tpu.memory_space<vmem>>) target(%dma_start3A_133 : memref<128x64xf32, #tpu.memory_space<hbm>>) target_semaphore(%run_scoped3A : memref<!tpu.dma_semaphore, #tpu.memory_space<semaphore_mem>>)
      %dma_wait3A = arith.constant 0 : i32
      %dma_wait3A_134 = tpu.memref_slice %arg6[%add3A_55, %dma_wait3A] : memref<20480x64xf32, #tpu.memory_space<hbm>> -> memref<128x64xf32, #tpu.memory_space<hbm>>
      %dma_wait3A_135 = arith.constant 0 : i32
      %dma_wait3A_136 = tpu.memref_slice %arg6[%add3A_55, %dma_wait3A_135] : memref<20480x64xf32, #tpu.memory_space<hbm>> -> memref<128x64xf32, #tpu.memory_space<hbm>>
      tpu.wait_dma2 semaphore(%run_scoped3A : memref<!tpu.dma_semaphore, #tpu.memory_space<semaphore_mem>>) src(%arg12 : memref<128x64xf32, #tpu.memory_space<vmem>>) dst(%dma_wait3A_136 : memref<128x64xf32, #tpu.memory_space<hbm>>)
      tpu.yield
    }) : () -> ()
    %add3A_56 = arith.constant 384 : i32
    %add3A_57 = arith.addi %mul3A_11, %add3A_56 : i32
    "tpu.region"() ({
      %run_scoped3A = tpu.sem_alloc : memref<!tpu.dma_semaphore, #tpu.memory_space<semaphore_mem>>
      %dma_start3A_130 = arith.constant 0 : i32
      %dma_start3A_131 = tpu.memref_slice %arg14[%add3A_57, %dma_start3A_130] : memref<10240x64xf32, #tpu.memory_space<vmem_shared>> -> memref<128x64xf32, #tpu.memory_space<vmem_shared>>
      %dma_start3A_132 = arith.constant 0 : i32
      %dma_start3A_133 = tpu.memref_slice %arg14[%add3A_57, %dma_start3A_132] : memref<10240x64xf32, #tpu.memory_space<vmem_shared>> -> memref<128x64xf32, #tpu.memory_space<vmem_shared>>
      tpu.enqueue_dma source(%dma_start3A_133 : memref<128x64xf32, #tpu.memory_space<vmem_shared>>) target(%arg12 : memref<128x64xf32, #tpu.memory_space<vmem>>) target_semaphore(%run_scoped3A : memref<!tpu.dma_semaphore, #tpu.memory_space<semaphore_mem>>)
      %dma_wait3A = arith.constant 0 : i32
      %dma_wait3A_134 = tpu.memref_slice %arg14[%add3A_57, %dma_wait3A] : memref<10240x64xf32, #tpu.memory_space<vmem_shared>> -> memref<128x64xf32, #tpu.memory_space<vmem_shared>>
      %dma_wait3A_135 = arith.constant 0 : i32
      %dma_wait3A_136 = tpu.memref_slice %arg14[%add3A_57, %dma_wait3A_135] : memref<10240x64xf32, #tpu.memory_space<vmem_shared>> -> memref<128x64xf32, #tpu.memory_space<vmem_shared>>
      tpu.wait_dma2 semaphore(%run_scoped3A : memref<!tpu.dma_semaphore, #tpu.memory_space<semaphore_mem>>) src(%dma_wait3A_136 : memref<128x64xf32, #tpu.memory_space<vmem_shared>>) dst(%arg12 : memref<128x64xf32, #tpu.memory_space<vmem>>)
      tpu.yield
    }) : () -> ()
    %mul3A_58 = arith.constant 10240 : i32
    %mul3A_59 = arith.muli %arg0, %mul3A_58 : i32
    %add3A_60 = arith.addi %mul3A_59, %mul3A_11 : i32
    %add3A_61 = arith.constant 384 : i32
    %add3A_62 = arith.addi %add3A_60, %add3A_61 : i32
    "tpu.region"() ({
      %run_scoped3A = tpu.sem_alloc : memref<!tpu.dma_semaphore, #tpu.memory_space<semaphore_mem>>
      %dma_start3A_130 = arith.constant 0 : i32
      %dma_start3A_131 = tpu.memref_slice %arg6[%add3A_62, %dma_start3A_130] : memref<20480x64xf32, #tpu.memory_space<hbm>> -> memref<128x64xf32, #tpu.memory_space<hbm>>
      %dma_start3A_132 = arith.constant 0 : i32
      %dma_start3A_133 = tpu.memref_slice %arg6[%add3A_62, %dma_start3A_132] : memref<20480x64xf32, #tpu.memory_space<hbm>> -> memref<128x64xf32, #tpu.memory_space<hbm>>
      tpu.enqueue_dma source(%arg12 : memref<128x64xf32, #tpu.memory_space<vmem>>) target(%dma_start3A_133 : memref<128x64xf32, #tpu.memory_space<hbm>>) target_semaphore(%run_scoped3A : memref<!tpu.dma_semaphore, #tpu.memory_space<semaphore_mem>>)
      %dma_wait3A = arith.constant 0 : i32
      %dma_wait3A_134 = tpu.memref_slice %arg6[%add3A_62, %dma_wait3A] : memref<20480x64xf32, #tpu.memory_space<hbm>> -> memref<128x64xf32, #tpu.memory_space<hbm>>
      %dma_wait3A_135 = arith.constant 0 : i32
      %dma_wait3A_136 = tpu.memref_slice %arg6[%add3A_62, %dma_wait3A_135] : memref<20480x64xf32, #tpu.memory_space<hbm>> -> memref<128x64xf32, #tpu.memory_space<hbm>>
      tpu.wait_dma2 semaphore(%run_scoped3A : memref<!tpu.dma_semaphore, #tpu.memory_space<semaphore_mem>>) src(%arg12 : memref<128x64xf32, #tpu.memory_space<vmem>>) dst(%dma_wait3A_136 : memref<128x64xf32, #tpu.memory_space<hbm>>)
      tpu.yield
    }) : () -> ()
    %add3A_63 = arith.constant 512 : i32
    %add3A_64 = arith.addi %mul3A_11, %add3A_63 : i32
    "tpu.region"() ({
      %run_scoped3A = tpu.sem_alloc : memref<!tpu.dma_semaphore, #tpu.memory_space<semaphore_mem>>
      %dma_start3A_130 = arith.constant 0 : i32
      %dma_start3A_131 = tpu.memref_slice %arg14[%add3A_64, %dma_start3A_130] : memref<10240x64xf32, #tpu.memory_space<vmem_shared>> -> memref<128x64xf32, #tpu.memory_space<vmem_shared>>
      %dma_start3A_132 = arith.constant 0 : i32
      %dma_start3A_133 = tpu.memref_slice %arg14[%add3A_64, %dma_start3A_132] : memref<10240x64xf32, #tpu.memory_space<vmem_shared>> -> memref<128x64xf32, #tpu.memory_space<vmem_shared>>
      tpu.enqueue_dma source(%dma_start3A_133 : memref<128x64xf32, #tpu.memory_space<vmem_shared>>) target(%arg12 : memref<128x64xf32, #tpu.memory_space<vmem>>) target_semaphore(%run_scoped3A : memref<!tpu.dma_semaphore, #tpu.memory_space<semaphore_mem>>)
      %dma_wait3A = arith.constant 0 : i32
      %dma_wait3A_134 = tpu.memref_slice %arg14[%add3A_64, %dma_wait3A] : memref<10240x64xf32, #tpu.memory_space<vmem_shared>> -> memref<128x64xf32, #tpu.memory_space<vmem_shared>>
      %dma_wait3A_135 = arith.constant 0 : i32
      %dma_wait3A_136 = tpu.memref_slice %arg14[%add3A_64, %dma_wait3A_135] : memref<10240x64xf32, #tpu.memory_space<vmem_shared>> -> memref<128x64xf32, #tpu.memory_space<vmem_shared>>
      tpu.wait_dma2 semaphore(%run_scoped3A : memref<!tpu.dma_semaphore, #tpu.memory_space<semaphore_mem>>) src(%dma_wait3A_136 : memref<128x64xf32, #tpu.memory_space<vmem_shared>>) dst(%arg12 : memref<128x64xf32, #tpu.memory_space<vmem>>)
      tpu.yield
    }) : () -> ()
    %mul3A_65 = arith.constant 10240 : i32
    %mul3A_66 = arith.muli %arg0, %mul3A_65 : i32
    %add3A_67 = arith.addi %mul3A_66, %mul3A_11 : i32
    %add3A_68 = arith.constant 512 : i32
    %add3A_69 = arith.addi %add3A_67, %add3A_68 : i32
    "tpu.region"() ({
      %run_scoped3A = tpu.sem_alloc : memref<!tpu.dma_semaphore, #tpu.memory_space<semaphore_mem>>
      %dma_start3A_130 = arith.constant 0 : i32
      %dma_start3A_131 = tpu.memref_slice %arg6[%add3A_69, %dma_start3A_130] : memref<20480x64xf32, #tpu.memory_space<hbm>> -> memref<128x64xf32, #tpu.memory_space<hbm>>
      %dma_start3A_132 = arith.constant 0 : i32
      %dma_start3A_133 = tpu.memref_slice %arg6[%add3A_69, %dma_start3A_132] : memref<20480x64xf32, #tpu.memory_space<hbm>> -> memref<128x64xf32, #tpu.memory_space<hbm>>
      tpu.enqueue_dma source(%arg12 : memref<128x64xf32, #tpu.memory_space<vmem>>) target(%dma_start3A_133 : memref<128x64xf32, #tpu.memory_space<hbm>>) target_semaphore(%run_scoped3A : memref<!tpu.dma_semaphore, #tpu.memory_space<semaphore_mem>>)
      %dma_wait3A = arith.constant 0 : i32
      %dma_wait3A_134 = tpu.memref_slice %arg6[%add3A_69, %dma_wait3A] : memref<20480x64xf32, #tpu.memory_space<hbm>> -> memref<128x64xf32, #tpu.memory_space<hbm>>
      %dma_wait3A_135 = arith.constant 0 : i32
      %dma_wait3A_136 = tpu.memref_slice %arg6[%add3A_69, %dma_wait3A_135] : memref<20480x64xf32, #tpu.memory_space<hbm>> -> memref<128x64xf32, #tpu.memory_space<hbm>>
      tpu.wait_dma2 semaphore(%run_scoped3A : memref<!tpu.dma_semaphore, #tpu.memory_space<semaphore_mem>>) src(%arg12 : memref<128x64xf32, #tpu.memory_space<vmem>>) dst(%dma_wait3A_136 : memref<128x64xf32, #tpu.memory_space<hbm>>)
      tpu.yield
    }) : () -> ()
    %add3A_70 = arith.constant 0 : i32
    %add3A_71 = arith.addi %mul3A_11, %add3A_70 : i32
    "tpu.region"() ({
      %run_scoped3A = tpu.sem_alloc : memref<!tpu.dma_semaphore, #tpu.memory_space<semaphore_mem>>
      %dma_start3A_130 = arith.constant 0 : i32
      %dma_start3A_131 = tpu.memref_slice %arg14[%add3A_71, %dma_start3A_130] : memref<10240x64xf32, #tpu.memory_space<vmem_shared>> -> memref<128x64xf32, #tpu.memory_space<vmem_shared>>
      %dma_start3A_132 = arith.constant 0 : i32
      %dma_start3A_133 = tpu.memref_slice %arg14[%add3A_71, %dma_start3A_132] : memref<10240x64xf32, #tpu.memory_space<vmem_shared>> -> memref<128x64xf32, #tpu.memory_space<vmem_shared>>
      tpu.enqueue_dma source(%arg13 : memref<128x64xf32, #tpu.memory_space<vmem>>) target(%dma_start3A_133 : memref<128x64xf32, #tpu.memory_space<vmem_shared>>) target_semaphore(%run_scoped3A : memref<!tpu.dma_semaphore, #tpu.memory_space<semaphore_mem>>)
      %dma_wait3A = arith.constant 0 : i32
      %dma_wait3A_134 = tpu.memref_slice %arg14[%add3A_71, %dma_wait3A] : memref<10240x64xf32, #tpu.memory_space<vmem_shared>> -> memref<128x64xf32, #tpu.memory_space<vmem_shared>>
      %dma_wait3A_135 = arith.constant 0 : i32
      %dma_wait3A_136 = tpu.memref_slice %arg14[%add3A_71, %dma_wait3A_135] : memref<10240x64xf32, #tpu.memory_space<vmem_shared>> -> memref<128x64xf32, #tpu.memory_space<vmem_shared>>
      tpu.wait_dma2 semaphore(%run_scoped3A : memref<!tpu.dma_semaphore, #tpu.memory_space<semaphore_mem>>) src(%arg13 : memref<128x64xf32, #tpu.memory_space<vmem>>) dst(%dma_wait3A_136 : memref<128x64xf32, #tpu.memory_space<vmem_shared>>)
      tpu.yield
    }) : () -> ()
    %add3A_72 = arith.constant 128 : i32
    %add3A_73 = arith.addi %mul3A_11, %add3A_72 : i32
    "tpu.region"() ({
      %run_scoped3A = tpu.sem_alloc : memref<!tpu.dma_semaphore, #tpu.memory_space<semaphore_mem>>
      %dma_start3A_130 = arith.constant 0 : i32
      %dma_start3A_131 = tpu.memref_slice %arg14[%add3A_73, %dma_start3A_130] : memref<10240x64xf32, #tpu.memory_space<vmem_shared>> -> memref<128x64xf32, #tpu.memory_space<vmem_shared>>
      %dma_start3A_132 = arith.constant 0 : i32
      %dma_start3A_133 = tpu.memref_slice %arg14[%add3A_73, %dma_start3A_132] : memref<10240x64xf32, #tpu.memory_space<vmem_shared>> -> memref<128x64xf32, #tpu.memory_space<vmem_shared>>
      tpu.enqueue_dma source(%arg13 : memref<128x64xf32, #tpu.memory_space<vmem>>) target(%dma_start3A_133 : memref<128x64xf32, #tpu.memory_space<vmem_shared>>) target_semaphore(%run_scoped3A : memref<!tpu.dma_semaphore, #tpu.memory_space<semaphore_mem>>)
      %dma_wait3A = arith.constant 0 : i32
      %dma_wait3A_134 = tpu.memref_slice %arg14[%add3A_73, %dma_wait3A] : memref<10240x64xf32, #tpu.memory_space<vmem_shared>> -> memref<128x64xf32, #tpu.memory_space<vmem_shared>>
      %dma_wait3A_135 = arith.constant 0 : i32
      %dma_wait3A_136 = tpu.memref_slice %arg14[%add3A_73, %dma_wait3A_135] : memref<10240x64xf32, #tpu.memory_space<vmem_shared>> -> memref<128x64xf32, #tpu.memory_space<vmem_shared>>
      tpu.wait_dma2 semaphore(%run_scoped3A : memref<!tpu.dma_semaphore, #tpu.memory_space<semaphore_mem>>) src(%arg13 : memref<128x64xf32, #tpu.memory_space<vmem>>) dst(%dma_wait3A_136 : memref<128x64xf32, #tpu.memory_space<vmem_shared>>)
      tpu.yield
    }) : () -> ()
    %add3A_74 = arith.constant 256 : i32
    %add3A_75 = arith.addi %mul3A_11, %add3A_74 : i32
    "tpu.region"() ({
      %run_scoped3A = tpu.sem_alloc : memref<!tpu.dma_semaphore, #tpu.memory_space<semaphore_mem>>
      %dma_start3A_130 = arith.constant 0 : i32
      %dma_start3A_131 = tpu.memref_slice %arg14[%add3A_75, %dma_start3A_130] : memref<10240x64xf32, #tpu.memory_space<vmem_shared>> -> memref<128x64xf32, #tpu.memory_space<vmem_shared>>
      %dma_start3A_132 = arith.constant 0 : i32
      %dma_start3A_133 = tpu.memref_slice %arg14[%add3A_75, %dma_start3A_132] : memref<10240x64xf32, #tpu.memory_space<vmem_shared>> -> memref<128x64xf32, #tpu.memory_space<vmem_shared>>
      tpu.enqueue_dma source(%arg13 : memref<128x64xf32, #tpu.memory_space<vmem>>) target(%dma_start3A_133 : memref<128x64xf32, #tpu.memory_space<vmem_shared>>) target_semaphore(%run_scoped3A : memref<!tpu.dma_semaphore, #tpu.memory_space<semaphore_mem>>)
      %dma_wait3A = arith.constant 0 : i32
      %dma_wait3A_134 = tpu.memref_slice %arg14[%add3A_75, %dma_wait3A] : memref<10240x64xf32, #tpu.memory_space<vmem_shared>> -> memref<128x64xf32, #tpu.memory_space<vmem_shared>>
      %dma_wait3A_135 = arith.constant 0 : i32
      %dma_wait3A_136 = tpu.memref_slice %arg14[%add3A_75, %dma_wait3A_135] : memref<10240x64xf32, #tpu.memory_space<vmem_shared>> -> memref<128x64xf32, #tpu.memory_space<vmem_shared>>
      tpu.wait_dma2 semaphore(%run_scoped3A : memref<!tpu.dma_semaphore, #tpu.memory_space<semaphore_mem>>) src(%arg13 : memref<128x64xf32, #tpu.memory_space<vmem>>) dst(%dma_wait3A_136 : memref<128x64xf32, #tpu.memory_space<vmem_shared>>)
      tpu.yield
    }) : () -> ()
    %add3A_76 = arith.constant 384 : i32
    %add3A_77 = arith.addi %mul3A_11, %add3A_76 : i32
    "tpu.region"() ({
      %run_scoped3A = tpu.sem_alloc : memref<!tpu.dma_semaphore, #tpu.memory_space<semaphore_mem>>
      %dma_start3A_130 = arith.constant 0 : i32
      %dma_start3A_131 = tpu.memref_slice %arg14[%add3A_77, %dma_start3A_130] : memref<10240x64xf32, #tpu.memory_space<vmem_shared>> -> memref<128x64xf32, #tpu.memory_space<vmem_shared>>
      %dma_start3A_132 = arith.constant 0 : i32
      %dma_start3A_133 = tpu.memref_slice %arg14[%add3A_77, %dma_start3A_132] : memref<10240x64xf32, #tpu.memory_space<vmem_shared>> -> memref<128x64xf32, #tpu.memory_space<vmem_shared>>
      tpu.enqueue_dma source(%arg13 : memref<128x64xf32, #tpu.memory_space<vmem>>) target(%dma_start3A_133 : memref<128x64xf32, #tpu.memory_space<vmem_shared>>) target_semaphore(%run_scoped3A : memref<!tpu.dma_semaphore, #tpu.memory_space<semaphore_mem>>)
      %dma_wait3A = arith.constant 0 : i32
      %dma_wait3A_134 = tpu.memref_slice %arg14[%add3A_77, %dma_wait3A] : memref<10240x64xf32, #tpu.memory_space<vmem_shared>> -> memref<128x64xf32, #tpu.memory_space<vmem_shared>>
      %dma_wait3A_135 = arith.constant 0 : i32
      %dma_wait3A_136 = tpu.memref_slice %arg14[%add3A_77, %dma_wait3A_135] : memref<10240x64xf32, #tpu.memory_space<vmem_shared>> -> memref<128x64xf32, #tpu.memory_space<vmem_shared>>
      tpu.wait_dma2 semaphore(%run_scoped3A : memref<!tpu.dma_semaphore, #tpu.memory_space<semaphore_mem>>) src(%arg13 : memref<128x64xf32, #tpu.memory_space<vmem>>) dst(%dma_wait3A_136 : memref<128x64xf32, #tpu.memory_space<vmem_shared>>)
      tpu.yield
    }) : () -> ()
    %add3A_78 = arith.constant 512 : i32
    %add3A_79 = arith.addi %mul3A_11, %add3A_78 : i32
    "tpu.region"() ({
      %run_scoped3A = tpu.sem_alloc : memref<!tpu.dma_semaphore, #tpu.memory_space<semaphore_mem>>
      %dma_start3A_130 = arith.constant 0 : i32
      %dma_start3A_131 = tpu.memref_slice %arg14[%add3A_79, %dma_start3A_130] : memref<10240x64xf32, #tpu.memory_space<vmem_shared>> -> memref<128x64xf32, #tpu.memory_space<vmem_shared>>
      %dma_start3A_132 = arith.constant 0 : i32
      %dma_start3A_133 = tpu.memref_slice %arg14[%add3A_79, %dma_start3A_132] : memref<10240x64xf32, #tpu.memory_space<vmem_shared>> -> memref<128x64xf32, #tpu.memory_space<vmem_shared>>
      tpu.enqueue_dma source(%arg13 : memref<128x64xf32, #tpu.memory_space<vmem>>) target(%dma_start3A_133 : memref<128x64xf32, #tpu.memory_space<vmem_shared>>) target_semaphore(%run_scoped3A : memref<!tpu.dma_semaphore, #tpu.memory_space<semaphore_mem>>)
      %dma_wait3A = arith.constant 0 : i32
      %dma_wait3A_134 = tpu.memref_slice %arg14[%add3A_79, %dma_wait3A] : memref<10240x64xf32, #tpu.memory_space<vmem_shared>> -> memref<128x64xf32, #tpu.memory_space<vmem_shared>>
      %dma_wait3A_135 = arith.constant 0 : i32
      %dma_wait3A_136 = tpu.memref_slice %arg14[%add3A_79, %dma_wait3A_135] : memref<10240x64xf32, #tpu.memory_space<vmem_shared>> -> memref<128x64xf32, #tpu.memory_space<vmem_shared>>
      tpu.wait_dma2 semaphore(%run_scoped3A : memref<!tpu.dma_semaphore, #tpu.memory_space<semaphore_mem>>) src(%arg13 : memref<128x64xf32, #tpu.memory_space<vmem>>) dst(%dma_wait3A_136 : memref<128x64xf32, #tpu.memory_space<vmem_shared>>)
      tpu.yield
    }) : () -> ()
    %barrier3A_80 = arith.constant 0 : index
    tpu.barrier barrier_id(%barrier3A_80)
    %dma_start3A_81 = arith.constant 0 : i32
    %dma_start3A_82 = arith.constant 0 : i32
    %dma_start3A_83 = tpu.memref_slice %arg8[%dma_start3A_81, %dma_start3A_82] : memref<160x128xi32, #tpu.memory_space<vmem>> -> memref<1x128xi32, #tpu.memory_space<vmem>>
    %dma_start3A_84 = tpu.memref_squeeze %dma_start3A_83 : memref<1x128xi32, #tpu.memory_space<vmem>> -> memref<128xi32, #tpu.memory_space<vmem>>
    %dma_start3A_85 = arith.constant 0 : i32
    %dma_start3A_86 = arith.constant 0 : i32
    %dma_start3A_87 = tpu.memref_slice %arg5[%dma_start3A_85, %dma_start3A_86] : memref<20000x64xf32, #tpu.memory_space<hbm>> -> memref<20000x64xf32, #tpu.memory_space<hbm>>
    tpu.enqueue_indirect_dma source(%dma_start3A_87 : memref<20000x64xf32, #tpu.memory_space<hbm>>) target(%arg10 : memref<128x64xf32, #tpu.memory_space<vmem>>) offsets(%dma_start3A_84 : memref<128xi32, #tpu.memory_space<vmem>>) semaphore(%arg15 : memref<!tpu.dma_semaphore, #tpu.memory_space<semaphore_mem>>)
    %scan3A_88 = arith.constant 0 : i32
    %scan3A_89 = arith.constant 0 : i32
    %scan3A_90 = arith.constant 80 : i32
    %scan3A_91 = arith.addi %scan3A_89, %scan3A_90 : i32
    %scan3A_92 = arith.constant 1 : i32
    scf.for %scan3A_130 = %scan3A_89 to %scan3A_91 step %scan3A_92  : i32 {
      %mul3A_131 = arith.constant 2 : i32
      %mul3A_132 = arith.muli %mul3A_131, %scan3A_130 : i32
      %add3A_133 = arith.constant 1 : i32
      %add3A_134 = arith.addi %mul3A_132, %add3A_133 : i32
      %dma_start3A_135 = arith.constant 0 : i32
      %dma_start3A_136 = tpu.memref_slice %arg8[%add3A_134, %dma_start3A_135] : memref<160x128xi32, #tpu.memory_space<vmem>> -> memref<1x128xi32, #tpu.memory_space<vmem>>
      %dma_start3A_137 = tpu.memref_squeeze %dma_start3A_136 : memref<1x128xi32, #tpu.memory_space<vmem>> -> memref<128xi32, #tpu.memory_space<vmem>>
      %dma_start3A_138 = arith.constant 0 : i32
      %dma_start3A_139 = arith.constant 0 : i32
      %dma_start3A_140 = tpu.memref_slice %arg5[%dma_start3A_138, %dma_start3A_139] : memref<20000x64xf32, #tpu.memory_space<hbm>> -> memref<20000x64xf32, #tpu.memory_space<hbm>>
      tpu.enqueue_indirect_dma source(%dma_start3A_140 : memref<20000x64xf32, #tpu.memory_space<hbm>>) target(%arg11 : memref<128x64xf32, #tpu.memory_space<vmem>>) offsets(%dma_start3A_137 : memref<128xi32, #tpu.memory_space<vmem>>) semaphore(%arg16 : memref<!tpu.dma_semaphore, #tpu.memory_space<semaphore_mem>>)
      %dma_wait3A = arith.constant 0 : i32
      %dma_wait3A_141 = tpu.memref_slice %arg8[%mul3A_132, %dma_wait3A] : memref<160x128xi32, #tpu.memory_space<vmem>> -> memref<1x128xi32, #tpu.memory_space<vmem>>
      %dma_wait3A_142 = tpu.memref_squeeze %dma_wait3A_141 : memref<1x128xi32, #tpu.memory_space<vmem>> -> memref<128xi32, #tpu.memory_space<vmem>>
      %dma_wait3A_143 = arith.constant 0 : i32
      %dma_wait3A_144 = arith.constant 0 : i32
      %dma_wait3A_145 = tpu.memref_slice %arg5[%dma_wait3A_143, %dma_wait3A_144] : memref<20000x64xf32, #tpu.memory_space<hbm>> -> memref<20000x64xf32, #tpu.memory_space<hbm>>
      tpu.wait_indirect_dma semaphore(%arg15 : memref<!tpu.dma_semaphore, #tpu.memory_space<semaphore_mem>>) src(%dma_wait3A_145 : memref<20000x64xf32, #tpu.memory_space<hbm>>) dst(%arg10 : memref<128x64xf32, #tpu.memory_space<vmem>>)
      "tpu.region"() ({
        %run_scoped3A = tpu.sem_alloc : memref<!tpu.dma_semaphore, #tpu.memory_space<semaphore_mem>>
        %dma_start3A_154 = arith.constant 0 : i32
        %dma_start3A_155 = tpu.memref_slice %arg9[%mul3A_132, %dma_start3A_154] : memref<160x128xi32, #tpu.memory_space<vmem>> -> memref<1x128xi32, #tpu.memory_space<vmem>>
        %dma_start3A_156 = tpu.memref_squeeze %dma_start3A_155 : memref<1x128xi32, #tpu.memory_space<vmem>> -> memref<128xi32, #tpu.memory_space<vmem>>
        %dma_start3A_157 = arith.constant 0 : i32
        %dma_start3A_158 = arith.constant 0 : i32
        %dma_start3A_159 = tpu.memref_slice %arg14[%dma_start3A_157, %dma_start3A_158] : memref<10240x64xf32, #tpu.memory_space<vmem_shared>> -> memref<10240x64xf32, #tpu.memory_space<vmem_shared>>
        tpu.enqueue_indirect_dma source(%arg10 : memref<128x64xf32, #tpu.memory_space<vmem>>) target(%dma_start3A_159 : memref<10240x64xf32, #tpu.memory_space<vmem_shared>>) offsets(%dma_start3A_156 : memref<128xi32, #tpu.memory_space<vmem>>) semaphore(%run_scoped3A : memref<!tpu.dma_semaphore, #tpu.memory_space<semaphore_mem>>) {add = true}
        %dma_wait3A_160 = arith.constant 0 : i32
        %dma_wait3A_161 = tpu.memref_slice %arg9[%mul3A_132, %dma_wait3A_160] : memref<160x128xi32, #tpu.memory_space<vmem>> -> memref<1x128xi32, #tpu.memory_space<vmem>>
        %dma_wait3A_162 = tpu.memref_squeeze %dma_wait3A_161 : memref<1x128xi32, #tpu.memory_space<vmem>> -> memref<128xi32, #tpu.memory_space<vmem>>
        %dma_wait3A_163 = arith.constant 0 : i32
        %dma_wait3A_164 = arith.constant 0 : i32
        %dma_wait3A_165 = tpu.memref_slice %arg14[%dma_wait3A_163, %dma_wait3A_164] : memref<10240x64xf32, #tpu.memory_space<vmem_shared>> -> memref<10240x64xf32, #tpu.memory_space<vmem_shared>>
        tpu.wait_indirect_dma semaphore(%run_scoped3A : memref<!tpu.dma_semaphore, #tpu.memory_space<semaphore_mem>>) src(%arg10 : memref<128x64xf32, #tpu.memory_space<vmem>>) dst(%dma_wait3A_165 : memref<10240x64xf32, #tpu.memory_space<vmem_shared>>)
        tpu.yield
      }) : () -> ()
      %lt3A = arith.constant 79 : i32
      %lt3A_146 = arith.cmpi slt, %scan3A_130, %lt3A : i32
      %convert_element_type3A = arith.extui %lt3A_146 : i1 to i32
      %cond3A = arith.constant 0 : i32
      %cond3A_147 = arith.cmpi ne, %convert_element_type3A, %cond3A : i32
      scf.if %cond3A_147 {
        %add3A_154 = arith.constant 2 : i32
        %add3A_155 = arith.addi %mul3A_132, %add3A_154 : i32
        %dma_start3A_156 = arith.constant 0 : i32
        %dma_start3A_157 = tpu.memref_slice %arg8[%add3A_155, %dma_start3A_156] : memref<160x128xi32, #tpu.memory_space<vmem>> -> memref<1x128xi32, #tpu.memory_space<vmem>>
        %dma_start3A_158 = tpu.memref_squeeze %dma_start3A_157 : memref<1x128xi32, #tpu.memory_space<vmem>> -> memref<128xi32, #tpu.memory_space<vmem>>
        %dma_start3A_159 = arith.constant 0 : i32
        %dma_start3A_160 = arith.constant 0 : i32
        %dma_start3A_161 = tpu.memref_slice %arg5[%dma_start3A_159, %dma_start3A_160] : memref<20000x64xf32, #tpu.memory_space<hbm>> -> memref<20000x64xf32, #tpu.memory_space<hbm>>
        tpu.enqueue_indirect_dma source(%dma_start3A_161 : memref<20000x64xf32, #tpu.memory_space<hbm>>) target(%arg10 : memref<128x64xf32, #tpu.memory_space<vmem>>) offsets(%dma_start3A_158 : memref<128xi32, #tpu.memory_space<vmem>>) semaphore(%arg15 : memref<!tpu.dma_semaphore, #tpu.memory_space<semaphore_mem>>)
      } else {
      }
      %dma_wait3A_148 = arith.constant 0 : i32
      %dma_wait3A_149 = tpu.memref_slice %arg8[%add3A_134, %dma_wait3A_148] : memref<160x128xi32, #tpu.memory_space<vmem>> -> memref<1x128xi32, #tpu.memory_space<vmem>>
      %dma_wait3A_150 = tpu.memref_squeeze %dma_wait3A_149 : memref<1x128xi32, #tpu.memory_space<vmem>> -> memref<128xi32, #tpu.memory_space<vmem>>
      %dma_wait3A_151 = arith.constant 0 : i32
      %dma_wait3A_152 = arith.constant 0 : i32
      %dma_wait3A_153 = tpu.memref_slice %arg5[%dma_wait3A_151, %dma_wait3A_152] : memref<20000x64xf32, #tpu.memory_space<hbm>> -> memref<20000x64xf32, #tpu.memory_space<hbm>>
      tpu.wait_indirect_dma semaphore(%arg16 : memref<!tpu.dma_semaphore, #tpu.memory_space<semaphore_mem>>) src(%dma_wait3A_153 : memref<20000x64xf32, #tpu.memory_space<hbm>>) dst(%arg11 : memref<128x64xf32, #tpu.memory_space<vmem>>)
      "tpu.region"() ({
        %run_scoped3A = tpu.sem_alloc : memref<!tpu.dma_semaphore, #tpu.memory_space<semaphore_mem>>
        %dma_start3A_154 = arith.constant 0 : i32
        %dma_start3A_155 = tpu.memref_slice %arg9[%add3A_134, %dma_start3A_154] : memref<160x128xi32, #tpu.memory_space<vmem>> -> memref<1x128xi32, #tpu.memory_space<vmem>>
        %dma_start3A_156 = tpu.memref_squeeze %dma_start3A_155 : memref<1x128xi32, #tpu.memory_space<vmem>> -> memref<128xi32, #tpu.memory_space<vmem>>
        %dma_start3A_157 = arith.constant 0 : i32
        %dma_start3A_158 = arith.constant 0 : i32
        %dma_start3A_159 = tpu.memref_slice %arg14[%dma_start3A_157, %dma_start3A_158] : memref<10240x64xf32, #tpu.memory_space<vmem_shared>> -> memref<10240x64xf32, #tpu.memory_space<vmem_shared>>
        tpu.enqueue_indirect_dma source(%arg11 : memref<128x64xf32, #tpu.memory_space<vmem>>) target(%dma_start3A_159 : memref<10240x64xf32, #tpu.memory_space<vmem_shared>>) offsets(%dma_start3A_156 : memref<128xi32, #tpu.memory_space<vmem>>) semaphore(%run_scoped3A : memref<!tpu.dma_semaphore, #tpu.memory_space<semaphore_mem>>) {add = true}
        %dma_wait3A_160 = arith.constant 0 : i32
        %dma_wait3A_161 = tpu.memref_slice %arg9[%add3A_134, %dma_wait3A_160] : memref<160x128xi32, #tpu.memory_space<vmem>> -> memref<1x128xi32, #tpu.memory_space<vmem>>
        %dma_wait3A_162 = tpu.memref_squeeze %dma_wait3A_161 : memref<1x128xi32, #tpu.memory_space<vmem>> -> memref<128xi32, #tpu.memory_space<vmem>>
        %dma_wait3A_163 = arith.constant 0 : i32
        %dma_wait3A_164 = arith.constant 0 : i32
        %dma_wait3A_165 = tpu.memref_slice %arg14[%dma_wait3A_163, %dma_wait3A_164] : memref<10240x64xf32, #tpu.memory_space<vmem_shared>> -> memref<10240x64xf32, #tpu.memory_space<vmem_shared>>
        tpu.wait_indirect_dma semaphore(%run_scoped3A : memref<!tpu.dma_semaphore, #tpu.memory_space<semaphore_mem>>) src(%arg11 : memref<128x64xf32, #tpu.memory_space<vmem>>) dst(%dma_wait3A_165 : memref<10240x64xf32, #tpu.memory_space<vmem_shared>>)
        tpu.yield
      }) : () -> ()
    }
    %scan3A_93 = arith.constant 80 : i32
    %barrier3A_94 = arith.constant 0 : index
    tpu.barrier barrier_id(%barrier3A_94)
    %add3A_95 = arith.constant 0 : i32
    %add3A_96 = arith.addi %mul3A_11, %add3A_95 : i32
    "tpu.region"() ({
      %run_scoped3A = tpu.sem_alloc : memref<!tpu.dma_semaphore, #tpu.memory_space<semaphore_mem>>
      %dma_start3A_130 = arith.constant 0 : i32
      %dma_start3A_131 = tpu.memref_slice %arg14[%add3A_96, %dma_start3A_130] : memref<10240x64xf32, #tpu.memory_space<vmem_shared>> -> memref<128x64xf32, #tpu.memory_space<vmem_shared>>
      %dma_start3A_132 = arith.constant 0 : i32
      %dma_start3A_133 = tpu.memref_slice %arg14[%add3A_96, %dma_start3A_132] : memref<10240x64xf32, #tpu.memory_space<vmem_shared>> -> memref<128x64xf32, #tpu.memory_space<vmem_shared>>
      tpu.enqueue_dma source(%dma_start3A_133 : memref<128x64xf32, #tpu.memory_space<vmem_shared>>) target(%arg12 : memref<128x64xf32, #tpu.memory_space<vmem>>) target_semaphore(%run_scoped3A : memref<!tpu.dma_semaphore, #tpu.memory_space<semaphore_mem>>)
      %dma_wait3A = arith.constant 0 : i32
      %dma_wait3A_134 = tpu.memref_slice %arg14[%add3A_96, %dma_wait3A] : memref<10240x64xf32, #tpu.memory_space<vmem_shared>> -> memref<128x64xf32, #tpu.memory_space<vmem_shared>>
      %dma_wait3A_135 = arith.constant 0 : i32
      %dma_wait3A_136 = tpu.memref_slice %arg14[%add3A_96, %dma_wait3A_135] : memref<10240x64xf32, #tpu.memory_space<vmem_shared>> -> memref<128x64xf32, #tpu.memory_space<vmem_shared>>
      tpu.wait_dma2 semaphore(%run_scoped3A : memref<!tpu.dma_semaphore, #tpu.memory_space<semaphore_mem>>) src(%dma_wait3A_136 : memref<128x64xf32, #tpu.memory_space<vmem_shared>>) dst(%arg12 : memref<128x64xf32, #tpu.memory_space<vmem>>)
      tpu.yield
    }) : () -> ()
    %mul3A_97 = arith.constant 10240 : i32
    %mul3A_98 = arith.muli %arg0, %mul3A_97 : i32
    %add3A_99 = arith.addi %mul3A_98, %mul3A_11 : i32
    %add3A_100 = arith.constant 0 : i32
    %add3A_101 = arith.addi %add3A_99, %add3A_100 : i32
    "tpu.region"() ({
      %run_scoped3A = tpu.sem_alloc : memref<!tpu.dma_semaphore, #tpu.memory_space<semaphore_mem>>
      %dma_start3A_130 = arith.constant 0 : i32
      %dma_start3A_131 = tpu.memref_slice %arg7[%add3A_101, %dma_start3A_130] : memref<20480x64xf32, #tpu.memory_space<hbm>> -> memref<128x64xf32, #tpu.memory_space<hbm>>
      %dma_start3A_132 = arith.constant 0 : i32
      %dma_start3A_133 = tpu.memref_slice %arg7[%add3A_101, %dma_start3A_132] : memref<20480x64xf32, #tpu.memory_space<hbm>> -> memref<128x64xf32, #tpu.memory_space<hbm>>
      tpu.enqueue_dma source(%arg12 : memref<128x64xf32, #tpu.memory_space<vmem>>) target(%dma_start3A_133 : memref<128x64xf32, #tpu.memory_space<hbm>>) target_semaphore(%run_scoped3A : memref<!tpu.dma_semaphore, #tpu.memory_space<semaphore_mem>>)
      %dma_wait3A = arith.constant 0 : i32
      %dma_wait3A_134 = tpu.memref_slice %arg7[%add3A_101, %dma_wait3A] : memref<20480x64xf32, #tpu.memory_space<hbm>> -> memref<128x64xf32, #tpu.memory_space<hbm>>
      %dma_wait3A_135 = arith.constant 0 : i32
      %dma_wait3A_136 = tpu.memref_slice %arg7[%add3A_101, %dma_wait3A_135] : memref<20480x64xf32, #tpu.memory_space<hbm>> -> memref<128x64xf32, #tpu.memory_space<hbm>>
      tpu.wait_dma2 semaphore(%run_scoped3A : memref<!tpu.dma_semaphore, #tpu.memory_space<semaphore_mem>>) src(%arg12 : memref<128x64xf32, #tpu.memory_space<vmem>>) dst(%dma_wait3A_136 : memref<128x64xf32, #tpu.memory_space<hbm>>)
      tpu.yield
    }) : () -> ()
    %add3A_102 = arith.constant 128 : i32
    %add3A_103 = arith.addi %mul3A_11, %add3A_102 : i32
    "tpu.region"() ({
      %run_scoped3A = tpu.sem_alloc : memref<!tpu.dma_semaphore, #tpu.memory_space<semaphore_mem>>
      %dma_start3A_130 = arith.constant 0 : i32
      %dma_start3A_131 = tpu.memref_slice %arg14[%add3A_103, %dma_start3A_130] : memref<10240x64xf32, #tpu.memory_space<vmem_shared>> -> memref<128x64xf32, #tpu.memory_space<vmem_shared>>
      %dma_start3A_132 = arith.constant 0 : i32
      %dma_start3A_133 = tpu.memref_slice %arg14[%add3A_103, %dma_start3A_132] : memref<10240x64xf32, #tpu.memory_space<vmem_shared>> -> memref<128x64xf32, #tpu.memory_space<vmem_shared>>
      tpu.enqueue_dma source(%dma_start3A_133 : memref<128x64xf32, #tpu.memory_space<vmem_shared>>) target(%arg12 : memref<128x64xf32, #tpu.memory_space<vmem>>) target_semaphore(%run_scoped3A : memref<!tpu.dma_semaphore, #tpu.memory_space<semaphore_mem>>)
      %dma_wait3A = arith.constant 0 : i32
      %dma_wait3A_134 = tpu.memref_slice %arg14[%add3A_103, %dma_wait3A] : memref<10240x64xf32, #tpu.memory_space<vmem_shared>> -> memref<128x64xf32, #tpu.memory_space<vmem_shared>>
      %dma_wait3A_135 = arith.constant 0 : i32
      %dma_wait3A_136 = tpu.memref_slice %arg14[%add3A_103, %dma_wait3A_135] : memref<10240x64xf32, #tpu.memory_space<vmem_shared>> -> memref<128x64xf32, #tpu.memory_space<vmem_shared>>
      tpu.wait_dma2 semaphore(%run_scoped3A : memref<!tpu.dma_semaphore, #tpu.memory_space<semaphore_mem>>) src(%dma_wait3A_136 : memref<128x64xf32, #tpu.memory_space<vmem_shared>>) dst(%arg12 : memref<128x64xf32, #tpu.memory_space<vmem>>)
      tpu.yield
    }) : () -> ()
    %mul3A_104 = arith.constant 10240 : i32
    %mul3A_105 = arith.muli %arg0, %mul3A_104 : i32
    %add3A_106 = arith.addi %mul3A_105, %mul3A_11 : i32
    %add3A_107 = arith.constant 128 : i32
    %add3A_108 = arith.addi %add3A_106, %add3A_107 : i32
    "tpu.region"() ({
      %run_scoped3A = tpu.sem_alloc : memref<!tpu.dma_semaphore, #tpu.memory_space<semaphore_mem>>
      %dma_start3A_130 = arith.constant 0 : i32
      %dma_start3A_131 = tpu.memref_slice %arg7[%add3A_108, %dma_start3A_130] : memref<20480x64xf32, #tpu.memory_space<hbm>> -> memref<128x64xf32, #tpu.memory_space<hbm>>
      %dma_start3A_132 = arith.constant 0 : i32
      %dma_start3A_133 = tpu.memref_slice %arg7[%add3A_108, %dma_start3A_132] : memref<20480x64xf32, #tpu.memory_space<hbm>> -> memref<128x64xf32, #tpu.memory_space<hbm>>
      tpu.enqueue_dma source(%arg12 : memref<128x64xf32, #tpu.memory_space<vmem>>) target(%dma_start3A_133 : memref<128x64xf32, #tpu.memory_space<hbm>>) target_semaphore(%run_scoped3A : memref<!tpu.dma_semaphore, #tpu.memory_space<semaphore_mem>>)
      %dma_wait3A = arith.constant 0 : i32
      %dma_wait3A_134 = tpu.memref_slice %arg7[%add3A_108, %dma_wait3A] : memref<20480x64xf32, #tpu.memory_space<hbm>> -> memref<128x64xf32, #tpu.memory_space<hbm>>
      %dma_wait3A_135 = arith.constant 0 : i32
      %dma_wait3A_136 = tpu.memref_slice %arg7[%add3A_108, %dma_wait3A_135] : memref<20480x64xf32, #tpu.memory_space<hbm>> -> memref<128x64xf32, #tpu.memory_space<hbm>>
      tpu.wait_dma2 semaphore(%run_scoped3A : memref<!tpu.dma_semaphore, #tpu.memory_space<semaphore_mem>>) src(%arg12 : memref<128x64xf32, #tpu.memory_space<vmem>>) dst(%dma_wait3A_136 : memref<128x64xf32, #tpu.memory_space<hbm>>)
      tpu.yield
    }) : () -> ()
    %add3A_109 = arith.constant 256 : i32
    %add3A_110 = arith.addi %mul3A_11, %add3A_109 : i32
    "tpu.region"() ({
      %run_scoped3A = tpu.sem_alloc : memref<!tpu.dma_semaphore, #tpu.memory_space<semaphore_mem>>
      %dma_start3A_130 = arith.constant 0 : i32
      %dma_start3A_131 = tpu.memref_slice %arg14[%add3A_110, %dma_start3A_130] : memref<10240x64xf32, #tpu.memory_space<vmem_shared>> -> memref<128x64xf32, #tpu.memory_space<vmem_shared>>
      %dma_start3A_132 = arith.constant 0 : i32
      %dma_start3A_133 = tpu.memref_slice %arg14[%add3A_110, %dma_start3A_132] : memref<10240x64xf32, #tpu.memory_space<vmem_shared>> -> memref<128x64xf32, #tpu.memory_space<vmem_shared>>
      tpu.enqueue_dma source(%dma_start3A_133 : memref<128x64xf32, #tpu.memory_space<vmem_shared>>) target(%arg12 : memref<128x64xf32, #tpu.memory_space<vmem>>) target_semaphore(%run_scoped3A : memref<!tpu.dma_semaphore, #tpu.memory_space<semaphore_mem>>)
      %dma_wait3A = arith.constant 0 : i32
      %dma_wait3A_134 = tpu.memref_slice %arg14[%add3A_110, %dma_wait3A] : memref<10240x64xf32, #tpu.memory_space<vmem_shared>> -> memref<128x64xf32, #tpu.memory_space<vmem_shared>>
      %dma_wait3A_135 = arith.constant 0 : i32
      %dma_wait3A_136 = tpu.memref_slice %arg14[%add3A_110, %dma_wait3A_135] : memref<10240x64xf32, #tpu.memory_space<vmem_shared>> -> memref<128x64xf32, #tpu.memory_space<vmem_shared>>
      tpu.wait_dma2 semaphore(%run_scoped3A : memref<!tpu.dma_semaphore, #tpu.memory_space<semaphore_mem>>) src(%dma_wait3A_136 : memref<128x64xf32, #tpu.memory_space<vmem_shared>>) dst(%arg12 : memref<128x64xf32, #tpu.memory_space<vmem>>)
      tpu.yield
    }) : () -> ()
    %mul3A_111 = arith.constant 10240 : i32
    %mul3A_112 = arith.muli %arg0, %mul3A_111 : i32
    %add3A_113 = arith.addi %mul3A_112, %mul3A_11 : i32
    %add3A_114 = arith.constant 256 : i32
    %add3A_115 = arith.addi %add3A_113, %add3A_114 : i32
    "tpu.region"() ({
      %run_scoped3A = tpu.sem_alloc : memref<!tpu.dma_semaphore, #tpu.memory_space<semaphore_mem>>
      %dma_start3A_130 = arith.constant 0 : i32
      %dma_start3A_131 = tpu.memref_slice %arg7[%add3A_115, %dma_start3A_130] : memref<20480x64xf32, #tpu.memory_space<hbm>> -> memref<128x64xf32, #tpu.memory_space<hbm>>
      %dma_start3A_132 = arith.constant 0 : i32
      %dma_start3A_133 = tpu.memref_slice %arg7[%add3A_115, %dma_start3A_132] : memref<20480x64xf32, #tpu.memory_space<hbm>> -> memref<128x64xf32, #tpu.memory_space<hbm>>
      tpu.enqueue_dma source(%arg12 : memref<128x64xf32, #tpu.memory_space<vmem>>) target(%dma_start3A_133 : memref<128x64xf32, #tpu.memory_space<hbm>>) target_semaphore(%run_scoped3A : memref<!tpu.dma_semaphore, #tpu.memory_space<semaphore_mem>>)
      %dma_wait3A = arith.constant 0 : i32
      %dma_wait3A_134 = tpu.memref_slice %arg7[%add3A_115, %dma_wait3A] : memref<20480x64xf32, #tpu.memory_space<hbm>> -> memref<128x64xf32, #tpu.memory_space<hbm>>
      %dma_wait3A_135 = arith.constant 0 : i32
      %dma_wait3A_136 = tpu.memref_slice %arg7[%add3A_115, %dma_wait3A_135] : memref<20480x64xf32, #tpu.memory_space<hbm>> -> memref<128x64xf32, #tpu.memory_space<hbm>>
      tpu.wait_dma2 semaphore(%run_scoped3A : memref<!tpu.dma_semaphore, #tpu.memory_space<semaphore_mem>>) src(%arg12 : memref<128x64xf32, #tpu.memory_space<vmem>>) dst(%dma_wait3A_136 : memref<128x64xf32, #tpu.memory_space<hbm>>)
      tpu.yield
    }) : () -> ()
    %add3A_116 = arith.constant 384 : i32
    %add3A_117 = arith.addi %mul3A_11, %add3A_116 : i32
    "tpu.region"() ({
      %run_scoped3A = tpu.sem_alloc : memref<!tpu.dma_semaphore, #tpu.memory_space<semaphore_mem>>
      %dma_start3A_130 = arith.constant 0 : i32
      %dma_start3A_131 = tpu.memref_slice %arg14[%add3A_117, %dma_start3A_130] : memref<10240x64xf32, #tpu.memory_space<vmem_shared>> -> memref<128x64xf32, #tpu.memory_space<vmem_shared>>
      %dma_start3A_132 = arith.constant 0 : i32
      %dma_start3A_133 = tpu.memref_slice %arg14[%add3A_117, %dma_start3A_132] : memref<10240x64xf32, #tpu.memory_space<vmem_shared>> -> memref<128x64xf32, #tpu.memory_space<vmem_shared>>
      tpu.enqueue_dma source(%dma_start3A_133 : memref<128x64xf32, #tpu.memory_space<vmem_shared>>) target(%arg12 : memref<128x64xf32, #tpu.memory_space<vmem>>) target_semaphore(%run_scoped3A : memref<!tpu.dma_semaphore, #tpu.memory_space<semaphore_mem>>)
      %dma_wait3A = arith.constant 0 : i32
      %dma_wait3A_134 = tpu.memref_slice %arg14[%add3A_117, %dma_wait3A] : memref<10240x64xf32, #tpu.memory_space<vmem_shared>> -> memref<128x64xf32, #tpu.memory_space<vmem_shared>>
      %dma_wait3A_135 = arith.constant 0 : i32
      %dma_wait3A_136 = tpu.memref_slice %arg14[%add3A_117, %dma_wait3A_135] : memref<10240x64xf32, #tpu.memory_space<vmem_shared>> -> memref<128x64xf32, #tpu.memory_space<vmem_shared>>
      tpu.wait_dma2 semaphore(%run_scoped3A : memref<!tpu.dma_semaphore, #tpu.memory_space<semaphore_mem>>) src(%dma_wait3A_136 : memref<128x64xf32, #tpu.memory_space<vmem_shared>>) dst(%arg12 : memref<128x64xf32, #tpu.memory_space<vmem>>)
      tpu.yield
    }) : () -> ()
    %mul3A_118 = arith.constant 10240 : i32
    %mul3A_119 = arith.muli %arg0, %mul3A_118 : i32
    %add3A_120 = arith.addi %mul3A_119, %mul3A_11 : i32
    %add3A_121 = arith.constant 384 : i32
    %add3A_122 = arith.addi %add3A_120, %add3A_121 : i32
    "tpu.region"() ({
      %run_scoped3A = tpu.sem_alloc : memref<!tpu.dma_semaphore, #tpu.memory_space<semaphore_mem>>
      %dma_start3A_130 = arith.constant 0 : i32
      %dma_start3A_131 = tpu.memref_slice %arg7[%add3A_122, %dma_start3A_130] : memref<20480x64xf32, #tpu.memory_space<hbm>> -> memref<128x64xf32, #tpu.memory_space<hbm>>
      %dma_start3A_132 = arith.constant 0 : i32
      %dma_start3A_133 = tpu.memref_slice %arg7[%add3A_122, %dma_start3A_132] : memref<20480x64xf32, #tpu.memory_space<hbm>> -> memref<128x64xf32, #tpu.memory_space<hbm>>
      tpu.enqueue_dma source(%arg12 : memref<128x64xf32, #tpu.memory_space<vmem>>) target(%dma_start3A_133 : memref<128x64xf32, #tpu.memory_space<hbm>>) target_semaphore(%run_scoped3A : memref<!tpu.dma_semaphore, #tpu.memory_space<semaphore_mem>>)
      %dma_wait3A = arith.constant 0 : i32
      %dma_wait3A_134 = tpu.memref_slice %arg7[%add3A_122, %dma_wait3A] : memref<20480x64xf32, #tpu.memory_space<hbm>> -> memref<128x64xf32, #tpu.memory_space<hbm>>
      %dma_wait3A_135 = arith.constant 0 : i32
      %dma_wait3A_136 = tpu.memref_slice %arg7[%add3A_122, %dma_wait3A_135] : memref<20480x64xf32, #tpu.memory_space<hbm>> -> memref<128x64xf32, #tpu.memory_space<hbm>>
      tpu.wait_dma2 semaphore(%run_scoped3A : memref<!tpu.dma_semaphore, #tpu.memory_space<semaphore_mem>>) src(%arg12 : memref<128x64xf32, #tpu.memory_space<vmem>>) dst(%dma_wait3A_136 : memref<128x64xf32, #tpu.memory_space<hbm>>)
      tpu.yield
    }) : () -> ()
    %add3A_123 = arith.constant 512 : i32
    %add3A_124 = arith.addi %mul3A_11, %add3A_123 : i32
    "tpu.region"() ({
      %run_scoped3A = tpu.sem_alloc : memref<!tpu.dma_semaphore, #tpu.memory_space<semaphore_mem>>
      %dma_start3A_130 = arith.constant 0 : i32
      %dma_start3A_131 = tpu.memref_slice %arg14[%add3A_124, %dma_start3A_130] : memref<10240x64xf32, #tpu.memory_space<vmem_shared>> -> memref<128x64xf32, #tpu.memory_space<vmem_shared>>
      %dma_start3A_132 = arith.constant 0 : i32
      %dma_start3A_133 = tpu.memref_slice %arg14[%add3A_124, %dma_start3A_132] : memref<10240x64xf32, #tpu.memory_space<vmem_shared>> -> memref<128x64xf32, #tpu.memory_space<vmem_shared>>
      tpu.enqueue_dma source(%dma_start3A_133 : memref<128x64xf32, #tpu.memory_space<vmem_shared>>) target(%arg12 : memref<128x64xf32, #tpu.memory_space<vmem>>) target_semaphore(%run_scoped3A : memref<!tpu.dma_semaphore, #tpu.memory_space<semaphore_mem>>)
      %dma_wait3A = arith.constant 0 : i32
      %dma_wait3A_134 = tpu.memref_slice %arg14[%add3A_124, %dma_wait3A] : memref<10240x64xf32, #tpu.memory_space<vmem_shared>> -> memref<128x64xf32, #tpu.memory_space<vmem_shared>>
      %dma_wait3A_135 = arith.constant 0 : i32
      %dma_wait3A_136 = tpu.memref_slice %arg14[%add3A_124, %dma_wait3A_135] : memref<10240x64xf32, #tpu.memory_space<vmem_shared>> -> memref<128x64xf32, #tpu.memory_space<vmem_shared>>
      tpu.wait_dma2 semaphore(%run_scoped3A : memref<!tpu.dma_semaphore, #tpu.memory_space<semaphore_mem>>) src(%dma_wait3A_136 : memref<128x64xf32, #tpu.memory_space<vmem_shared>>) dst(%arg12 : memref<128x64xf32, #tpu.memory_space<vmem>>)
      tpu.yield
    }) : () -> ()
    %mul3A_125 = arith.constant 10240 : i32
    %mul3A_126 = arith.muli %arg0, %mul3A_125 : i32
    %add3A_127 = arith.addi %mul3A_126, %mul3A_11 : i32
    %add3A_128 = arith.constant 512 : i32
    %add3A_129 = arith.addi %add3A_127, %add3A_128 : i32
    "tpu.region"() ({
      %run_scoped3A = tpu.sem_alloc : memref<!tpu.dma_semaphore, #tpu.memory_space<semaphore_mem>>
      %dma_start3A_130 = arith.constant 0 : i32
      %dma_start3A_131 = tpu.memref_slice %arg7[%add3A_129, %dma_start3A_130] : memref<20480x64xf32, #tpu.memory_space<hbm>> -> memref<128x64xf32, #tpu.memory_space<hbm>>
      %dma_start3A_132 = arith.constant 0 : i32
      %dma_start3A_133 = tpu.memref_slice %arg7[%add3A_129, %dma_start3A_132] : memref<20480x64xf32, #tpu.memory_space<hbm>> -> memref<128x64xf32, #tpu.memory_space<hbm>>
      tpu.enqueue_dma source(%arg12 : memref<128x64xf32, #tpu.memory_space<vmem>>) target(%dma_start3A_133 : memref<128x64xf32, #tpu.memory_space<hbm>>) target_semaphore(%run_scoped3A : memref<!tpu.dma_semaphore, #tpu.memory_space<semaphore_mem>>)
      %dma_wait3A = arith.constant 0 : i32
      %dma_wait3A_134 = tpu.memref_slice %arg7[%add3A_129, %dma_wait3A] : memref<20480x64xf32, #tpu.memory_space<hbm>> -> memref<128x64xf32, #tpu.memory_space<hbm>>
      %dma_wait3A_135 = arith.constant 0 : i32
      %dma_wait3A_136 = tpu.memref_slice %arg7[%add3A_129, %dma_wait3A_135] : memref<20480x64xf32, #tpu.memory_space<hbm>> -> memref<128x64xf32, #tpu.memory_space<hbm>>
      tpu.wait_dma2 semaphore(%run_scoped3A : memref<!tpu.dma_semaphore, #tpu.memory_space<semaphore_mem>>) src(%arg12 : memref<128x64xf32, #tpu.memory_space<vmem>>) dst(%dma_wait3A_136 : memref<128x64xf32, #tpu.memory_space<hbm>>)
      tpu.yield
    }) : () -> ()
    return
  }
}

module attributes {stable_mosaic.version = 14 : i64} {
  func.func @_pre_body(%arg0: i32, %arg1: memref<1000x128xf32, #tpu.memory_space<vmem>>, %arg2: memref<128x128xf32, #tpu.memory_space<vmem>>, %arg3: memref<128xf32, #tpu.memory_space<vmem>>, %arg4: memref<1x128xf32, #tpu.memory_space<vmem>>, %arg5: memref<1xf32, #tpu.memory_space<smem>>, %arg6: memref<1000x1xf32, #tpu.memory_space<vmem>>, %arg7: memref<1000x1xf32, #tpu.memory_space<vmem>>, %arg8: memref<1000x128xf32, #tpu.memory_space<vmem>>, %arg9: memref<2x1000x64xf32, #tpu.memory_space<vmem>>, %arg10: memref<2x1000x64xf32, #tpu.memory_space<vmem>>, %arg11: memref<1000x1xf32, #tpu.memory_space<vmem>>, %arg12: memref<1000x1xf32, #tpu.memory_space<vmem>>, %arg13: memref<1000x1xf32, #tpu.memory_space<vmem>>) attributes {dimension_semantics = [#tpu.dimension_semantics<arbitrary>], iteration_bounds = array<i64: 10>, scalar_prefetch = 0 : i64, scratch_operands = 0 : i64, tpu.core_type = #tpu.core_type<tc>, window_params = [{transform_indices = @transform_0, window_bounds = array<i64: 1000, 128>}, {pipeline_mode = #tpu.pipeline_mode<synchronous>, transform_indices = @transform_1, window_bounds = array<i64: 128, 128>}, {pipeline_mode = #tpu.pipeline_mode<synchronous>, transform_indices = @transform_2, window_bounds = array<i64: 128>}, {pipeline_mode = #tpu.pipeline_mode<synchronous>, transform_indices = @transform_3, window_bounds = array<i64: 1, 128>}, {transform_indices = @transform_4, window_bounds = array<i64: 1>}, {transform_indices = @transform_5, window_bounds = array<i64: 1000, 1>}, {transform_indices = @transform_6, window_bounds = array<i64: 1000, 1>}, {transform_indices = @transform_7, window_bounds = array<i64: 1000, 128>}, {transform_indices = @transform_8, window_bounds = array<i64: 2, 1000, 64>}, {transform_indices = @transform_9, window_bounds = array<i64: 2, 1000, 64>}, {transform_indices = @transform_10, window_bounds = array<i64: 1000, 1>}, {transform_indices = @transform_11, window_bounds = array<i64: 1000, 1>}, {transform_indices = @transform_12, window_bounds = array<i64: 1000, 1>}]} {
    %get3A = arith.constant 0 : index
    %get3A_0 = arith.constant 0 : index
    %get3A_1 = vector.load %arg1[%get3A, %get3A_0] : memref<1000x128xf32, #tpu.memory_space<vmem>>, vector<1000x128xf32>
    %get3A_2 = arith.constant 0 : index
    %get3A_3 = arith.constant 0 : index
    %get3A_4 = vector.load %arg2[%get3A_2, %get3A_3] : memref<128x128xf32, #tpu.memory_space<vmem>>, vector<128x128xf32>
    %transpose3A = tpu.transpose %get3A_4, [1, 0] : vector<128x128xf32> -> vector<128x128xf32>
    %dot_general3A = arith.constant dense<0.000000e+00> : vector<1000x128xf32>
    %dot_general3A_5 = tpu.matmul %get3A_1, %transpose3A, %dot_general3A {dimension_numbers = #tpu.dot_dimension_numbers<[1], [0], [0], [1], [0, 0, 1, 1], [], []>, transpose_lhs_hint = false} : vector<1000x128xf32>, vector<128x128xf32>, vector<1000x128xf32> -> vector<1000x128xf32>
    %get3A_6 = arith.constant 0 : index
    %get3A_7 = vector.load %arg3[%get3A_6] : memref<128xf32, #tpu.memory_space<vmem>>, vector<128xf32>
    %broadcast_in_dim3A = vector.shape_cast %get3A_7 : vector<128xf32> to vector<1x128xf32>
    %add3A = vector.broadcast %broadcast_in_dim3A : vector<1x128xf32> to vector<1000x128xf32>
    %add3A_8 = arith.addf %dot_general3A_5, %add3A : vector<1000x128xf32>
    %swap3A = arith.constant 0 : index
    %swap3A_9 = arith.constant 0 : index
    %swap3A_10 = vector.load %arg8[%swap3A, %swap3A_9] : memref<1000x128xf32, #tpu.memory_space<vmem>>, vector<1000x128xf32>
    tpu.vector_store %arg8[%swap3A, %swap3A_9], %add3A_8 {strides = array<i32>} : memref<1000x128xf32, #tpu.memory_space<vmem>>, vector<1000x128xf32>,
    %get3A_11 = arith.constant 0 : index
    %get3A_12 = arith.constant 0 : index
    %get3A_13 = vector.load %arg6[%get3A_11, %get3A_12] : memref<1000x1xf32, #tpu.memory_space<vmem>>, vector<1000x1xf32>
    %gt3A = arith.constant 0.000000e+00 : f32
    %gt3A_14 = vector.broadcast %gt3A : f32 to vector<1000x1xf32>
    %gt3A_15 = arith.cmpf ogt, %get3A_13, %gt3A_14 : vector<1000x1xf32>
    %get3A_16 = arith.constant 0 : index
    %get3A_17 = arith.constant 0 : index
    %get3A_18 = vector.load %arg6[%get3A_16, %get3A_17] : memref<1000x1xf32, #tpu.memory_space<vmem>>, vector<1000x1xf32>
    %rsqrt3A = math.rsqrt %get3A_18 : vector<1000x1xf32>
    %jit3A = arith.constant 0.000000e+00 : f32
    %broadcast_in_dim3A_19 = vector.broadcast %jit3A : f32 to vector<1000x1xf32>
    %select_n3A = arith.select %gt3A_15, %rsqrt3A, %broadcast_in_dim3A_19 : vector<1000x1xi1>, vector<1000x1xf32>
    %get3A_20 = arith.constant 0 : index
    %get3A_21 = arith.constant 0 : index
    %get3A_22 = vector.load %arg7[%get3A_20, %get3A_21] : memref<1000x1xf32, #tpu.memory_space<vmem>>, vector<1000x1xf32>
    %gt3A_23 = arith.constant 0.000000e+00 : f32
    %gt3A_24 = vector.broadcast %gt3A_23 : f32 to vector<1000x1xf32>
    %gt3A_25 = arith.cmpf ogt, %get3A_22, %gt3A_24 : vector<1000x1xf32>
    %get3A_26 = arith.constant 0 : index
    %get3A_27 = arith.constant 0 : index
    %get3A_28 = vector.load %arg7[%get3A_26, %get3A_27] : memref<1000x1xf32, #tpu.memory_space<vmem>>, vector<1000x1xf32>
    %rsqrt3A_29 = math.rsqrt %get3A_28 : vector<1000x1xf32>
    %jit3A_30 = arith.constant 0.000000e+00 : f32
    %broadcast_in_dim3A_31 = vector.broadcast %jit3A_30 : f32 to vector<1000x1xf32>
    %select_n3A_32 = arith.select %gt3A_25, %rsqrt3A_29, %broadcast_in_dim3A_31 : vector<1000x1xi1>, vector<1000x1xf32>
    %swap3A_33 = arith.constant 0 : index
    %swap3A_34 = arith.constant 0 : index
    %swap3A_35 = vector.load %arg11[%swap3A_33, %swap3A_34] : memref<1000x1xf32, #tpu.memory_space<vmem>>, vector<1000x1xf32>
    tpu.vector_store %arg11[%swap3A_33, %swap3A_34], %select_n3A {strides = array<i32>} : memref<1000x1xf32, #tpu.memory_space<vmem>>, vector<1000x1xf32>,
    %swap3A_36 = arith.constant 0 : index
    %swap3A_37 = arith.constant 0 : index
    %swap3A_38 = vector.load %arg12[%swap3A_36, %swap3A_37] : memref<1000x1xf32, #tpu.memory_space<vmem>>, vector<1000x1xf32>
    tpu.vector_store %arg12[%swap3A_36, %swap3A_37], %select_n3A_32 {strides = array<i32>} : memref<1000x1xf32, #tpu.memory_space<vmem>>, vector<1000x1xf32>,
    %mul3A = vector.broadcast %select_n3A : vector<1000x1xf32> to vector<1000x128xf32>
    %mul3A_39 = arith.mulf %add3A_8, %mul3A : vector<1000x128xf32>
    %mul3A_40 = vector.broadcast %select_n3A_32 : vector<1000x1xf32> to vector<1000x128xf32>
    %mul3A_41 = arith.mulf %add3A_8, %mul3A_40 : vector<1000x128xf32>
    %slice3A = vector.extract_strided_slice %mul3A_39 {offsets = [0, 0], sizes = [1000, 64], strides = [1, 1]} : vector<1000x128xf32> to vector<1000x64xf32>
    %swap3A_42 = arith.constant 0 : index
    %swap3A_43 = arith.constant 0 : index
    %swap3A_44 = arith.constant 0 : index
    %swap3A_45 = vector.load %arg9[%swap3A_42, %swap3A_43, %swap3A_44] : memref<2x1000x64xf32, #tpu.memory_space<vmem>>, vector<1x1000x64xf32>
    %swap3A_46 = vector.shape_cast %swap3A_45 : vector<1x1000x64xf32> to vector<1000x64xf32>
    %swap3A_47 = vector.shape_cast %slice3A : vector<1000x64xf32> to vector<1x1000x64xf32>
    tpu.vector_store %arg9[%swap3A_42, %swap3A_43, %swap3A_44], %swap3A_47 {strides = array<i32>} : memref<2x1000x64xf32, #tpu.memory_space<vmem>>, vector<1x1000x64xf32>,
    %slice3A_48 = vector.extract_strided_slice %mul3A_41 {offsets = [0, 0], sizes = [1000, 64], strides = [1, 1]} : vector<1000x128xf32> to vector<1000x64xf32>
    %swap3A_49 = arith.constant 1 : index
    %swap3A_50 = arith.constant 0 : index
    %swap3A_51 = arith.constant 0 : index
    %swap3A_52 = vector.load %arg9[%swap3A_49, %swap3A_50, %swap3A_51] : memref<2x1000x64xf32, #tpu.memory_space<vmem>>, vector<1x1000x64xf32>
    %swap3A_53 = vector.shape_cast %swap3A_52 : vector<1x1000x64xf32> to vector<1000x64xf32>
    %swap3A_54 = vector.shape_cast %slice3A_48 : vector<1000x64xf32> to vector<1x1000x64xf32>
    tpu.vector_store %arg9[%swap3A_49, %swap3A_50, %swap3A_51], %swap3A_54 {strides = array<i32>} : memref<2x1000x64xf32, #tpu.memory_space<vmem>>, vector<1x1000x64xf32>,
    %slice3A_55 = vector.extract_strided_slice %mul3A_39 {offsets = [0, 64], sizes = [1000, 64], strides = [1, 1]} : vector<1000x128xf32> to vector<1000x64xf32>
    %swap3A_56 = arith.constant 0 : index
    %swap3A_57 = arith.constant 0 : index
    %swap3A_58 = arith.constant 0 : index
    %swap3A_59 = vector.load %arg10[%swap3A_56, %swap3A_57, %swap3A_58] : memref<2x1000x64xf32, #tpu.memory_space<vmem>>, vector<1x1000x64xf32>
    %swap3A_60 = vector.shape_cast %swap3A_59 : vector<1x1000x64xf32> to vector<1000x64xf32>
    %swap3A_61 = vector.shape_cast %slice3A_55 : vector<1000x64xf32> to vector<1x1000x64xf32>
    tpu.vector_store %arg10[%swap3A_56, %swap3A_57, %swap3A_58], %swap3A_61 {strides = array<i32>} : memref<2x1000x64xf32, #tpu.memory_space<vmem>>, vector<1x1000x64xf32>,
    %slice3A_62 = vector.extract_strided_slice %mul3A_41 {offsets = [0, 64], sizes = [1000, 64], strides = [1, 1]} : vector<1000x128xf32> to vector<1000x64xf32>
    %swap3A_63 = arith.constant 1 : index
    %swap3A_64 = arith.constant 0 : index
    %swap3A_65 = arith.constant 0 : index
    %swap3A_66 = vector.load %arg10[%swap3A_63, %swap3A_64, %swap3A_65] : memref<2x1000x64xf32, #tpu.memory_space<vmem>>, vector<1x1000x64xf32>
    %swap3A_67 = vector.shape_cast %swap3A_66 : vector<1x1000x64xf32> to vector<1000x64xf32>
    %swap3A_68 = vector.shape_cast %slice3A_62 : vector<1000x64xf32> to vector<1x1000x64xf32>
    tpu.vector_store %arg10[%swap3A_63, %swap3A_64, %swap3A_65], %swap3A_68 {strides = array<i32>} : memref<2x1000x64xf32, #tpu.memory_space<vmem>>, vector<1x1000x64xf32>,
    %get3A_69 = arith.constant 0 : index
    %get3A_70 = arith.constant 0 : index
    %get3A_71 = vector.load %arg4[%get3A_69, %get3A_70] : memref<1x128xf32, #tpu.memory_space<vmem>>, vector<1x128xf32>
    %mul3A_72 = vector.broadcast %get3A_71 : vector<1x128xf32> to vector<1000x128xf32>
    %mul3A_73 = arith.mulf %add3A_8, %mul3A_72 : vector<1000x128xf32>
    %reduce_sum3A = arith.constant dense<0.000000e+00> : vector<1000xf32>
    %reduce_sum3A_74 = vector.multi_reduction <add>, %mul3A_73, %reduce_sum3A [1] : vector<1000x128xf32> to vector<1000xf32>
    %broadcast_in_dim3A_75 = vector.shape_cast %reduce_sum3A_74 : vector<1000xf32> to vector<1000x1xf32>
    %get3A_76 = arith.constant 0 : index
    %get3A_77 = memref.load %arg5[%get3A_76] : memref<1xf32, #tpu.memory_space<smem>>
    %add3A_78 = vector.broadcast %get3A_77 : f32 to vector<1000x1xf32>
    %add3A_79 = arith.addf %broadcast_in_dim3A_75, %add3A_78 : vector<1000x1xf32>
    %swap3A_80 = arith.constant 0 : index
    %swap3A_81 = arith.constant 0 : index
    %swap3A_82 = vector.load %arg13[%swap3A_80, %swap3A_81] : memref<1000x1xf32, #tpu.memory_space<vmem>>, vector<1000x1xf32>
    tpu.vector_store %arg13[%swap3A_80, %swap3A_81], %add3A_79 {strides = array<i32>} : memref<1000x1xf32, #tpu.memory_space<vmem>>, vector<1000x1xf32>,
    return
  }
  func.func @transform_0(%arg0: i32) -> (i32, i32) {
    %c0_i32 = arith.constant 0 : i32
    %c0_i32_0 = arith.constant 0 : i32
    return %arg0, %c0_i32 : i32, i32
  }
  func.func @transform_1(%arg0: i32) -> (i32, i32) {
    %c0_i32 = arith.constant 0 : i32
    %c0_i32_0 = arith.constant 0 : i32
    %c0_i32_1 = arith.constant 0 : i32
    return %c0_i32, %c0_i32_0 : i32, i32
  }
  func.func @transform_2(%arg0: i32) -> i32 {
    %c0_i32 = arith.constant 0 : i32
    %c0_i32_0 = arith.constant 0 : i32
    return %c0_i32 : i32
  }
  func.func @transform_3(%arg0: i32) -> (i32, i32) {
    %c0_i32 = arith.constant 0 : i32
    %c0_i32_0 = arith.constant 0 : i32
    %c0_i32_1 = arith.constant 0 : i32
    return %c0_i32, %c0_i32_0 : i32, i32
  }
  func.func @transform_4(%arg0: i32) -> i32 {
    %c0_i32 = arith.constant 0 : i32
    %c0_i32_0 = arith.constant 0 : i32
    return %c0_i32 : i32
  }
  func.func @transform_5(%arg0: i32) -> (i32, i32) {
    %c0_i32 = arith.constant 0 : i32
    %c0_i32_0 = arith.constant 0 : i32
    return %arg0, %c0_i32 : i32, i32
  }
  func.func @transform_6(%arg0: i32) -> (i32, i32) {
    %c0_i32 = arith.constant 0 : i32
    %c0_i32_0 = arith.constant 0 : i32
    return %arg0, %c0_i32 : i32, i32
  }
  func.func @transform_7(%arg0: i32) -> (i32, i32) {
    %c0_i32 = arith.constant 0 : i32
    %c0_i32_0 = arith.constant 0 : i32
    return %arg0, %c0_i32 : i32, i32
  }
  func.func @transform_8(%arg0: i32) -> (i32, i32, i32) {
    %c0_i32 = arith.constant 0 : i32
    %c0_i32_0 = arith.constant 0 : i32
    %c0_i32_1 = arith.constant 0 : i32
    return %c0_i32, %arg0, %c0_i32_0 : i32, i32, i32
  }
  func.func @transform_9(%arg0: i32) -> (i32, i32, i32) {
    %c0_i32 = arith.constant 0 : i32
    %c0_i32_0 = arith.constant 0 : i32
    %c0_i32_1 = arith.constant 0 : i32
    return %c0_i32, %arg0, %c0_i32_0 : i32, i32, i32
  }
  func.func @transform_10(%arg0: i32) -> (i32, i32) {
    %c0_i32 = arith.constant 0 : i32
    %c0_i32_0 = arith.constant 0 : i32
    return %arg0, %c0_i32 : i32, i32
  }
  func.func @transform_11(%arg0: i32) -> (i32, i32) {
    %c0_i32 = arith.constant 0 : i32
    %c0_i32_0 = arith.constant 0 : i32
    return %arg0, %c0_i32 : i32, i32
  }
  func.func @transform_12(%arg0: i32) -> (i32, i32) {
    %c0_i32 = arith.constant 0 : i32
    %c0_i32_0 = arith.constant 0 : i32
    return %arg0, %c0_i32 : i32, i32
  }
}

module attributes {stable_mosaic.version = 14 : i64} {
  func.func @_post_body(%arg0: i32, %arg1: memref<1000x128xf32, #tpu.memory_space<vmem>>, %arg2: memref<2x1000x64xf32, #tpu.memory_space<vmem>>, %arg3: memref<2x1000x64xf32, #tpu.memory_space<vmem>>, %arg4: memref<1000x1xf32, #tpu.memory_space<vmem>>, %arg5: memref<1000x1xf32, #tpu.memory_space<vmem>>, %arg6: memref<1000x1xf32, #tpu.memory_space<vmem>>, %arg7: memref<1x128xf32, #tpu.memory_space<vmem>>, %arg8: memref<1xf32, #tpu.memory_space<smem>>, %arg9: memref<128x128xf32, #tpu.memory_space<vmem>>, %arg10: memref<128xf32, #tpu.memory_space<vmem>>, %arg11: memref<1000x128xf32, #tpu.memory_space<vmem>>) attributes {dimension_semantics = [#tpu.dimension_semantics<arbitrary>], iteration_bounds = array<i64: 10>, scalar_prefetch = 0 : i64, scratch_operands = 0 : i64, tpu.core_type = #tpu.core_type<tc>, window_params = [{transform_indices = @transform_0, window_bounds = array<i64: 1000, 128>}, {transform_indices = @transform_1, window_bounds = array<i64: 2, 1000, 64>}, {transform_indices = @transform_2, window_bounds = array<i64: 2, 1000, 64>}, {transform_indices = @transform_3, window_bounds = array<i64: 1000, 1>}, {transform_indices = @transform_4, window_bounds = array<i64: 1000, 1>}, {transform_indices = @transform_5, window_bounds = array<i64: 1000, 1>}, {pipeline_mode = #tpu.pipeline_mode<synchronous>, transform_indices = @transform_6, window_bounds = array<i64: 1, 128>}, {transform_indices = @transform_7, window_bounds = array<i64: 1>}, {pipeline_mode = #tpu.pipeline_mode<synchronous>, transform_indices = @transform_8, window_bounds = array<i64: 128, 128>}, {pipeline_mode = #tpu.pipeline_mode<synchronous>, transform_indices = @transform_9, window_bounds = array<i64: 128>}, {transform_indices = @transform_10, window_bounds = array<i64: 1000, 128>}]} {
    %get3A = arith.constant 0 : index
    %get3A_0 = arith.constant 0 : index
    %get3A_1 = arith.constant 0 : index
    %get3A_2 = vector.load %arg2[%get3A, %get3A_0, %get3A_1] : memref<2x1000x64xf32, #tpu.memory_space<vmem>>, vector<1x1000x64xf32>
    %get3A_3 = vector.shape_cast %get3A_2 : vector<1x1000x64xf32> to vector<1000x64xf32>
    %get3A_4 = arith.constant 0 : index
    %get3A_5 = arith.constant 0 : index
    %get3A_6 = arith.constant 0 : index
    %get3A_7 = vector.load %arg3[%get3A_4, %get3A_5, %get3A_6] : memref<2x1000x64xf32, #tpu.memory_space<vmem>>, vector<1x1000x64xf32>
    %get3A_8 = vector.shape_cast %get3A_7 : vector<1x1000x64xf32> to vector<1000x64xf32>
    %concatenate3A = tpu.concatenate %get3A_3, %get3A_8 in 1 : vector<1000x64xf32>, vector<1000x64xf32> -> vector<1000x128xf32>
    %get3A_9 = arith.constant 1 : index
    %get3A_10 = arith.constant 0 : index
    %get3A_11 = arith.constant 0 : index
    %get3A_12 = vector.load %arg2[%get3A_9, %get3A_10, %get3A_11] : memref<2x1000x64xf32, #tpu.memory_space<vmem>>, vector<1x1000x64xf32>
    %get3A_13 = vector.shape_cast %get3A_12 : vector<1x1000x64xf32> to vector<1000x64xf32>
    %get3A_14 = arith.constant 1 : index
    %get3A_15 = arith.constant 0 : index
    %get3A_16 = arith.constant 0 : index
    %get3A_17 = vector.load %arg3[%get3A_14, %get3A_15, %get3A_16] : memref<2x1000x64xf32, #tpu.memory_space<vmem>>, vector<1x1000x64xf32>
    %get3A_18 = vector.shape_cast %get3A_17 : vector<1x1000x64xf32> to vector<1000x64xf32>
    %concatenate3A_19 = tpu.concatenate %get3A_13, %get3A_18 in 1 : vector<1000x64xf32>, vector<1000x64xf32> -> vector<1000x128xf32>
    %get3A_20 = arith.constant 0 : index
    %get3A_21 = arith.constant 0 : index
    %get3A_22 = vector.load %arg4[%get3A_20, %get3A_21] : memref<1000x1xf32, #tpu.memory_space<vmem>>, vector<1000x1xf32>
    %mul3A = vector.broadcast %get3A_22 : vector<1000x1xf32> to vector<1000x128xf32>
    %mul3A_23 = arith.mulf %concatenate3A, %mul3A : vector<1000x128xf32>
    %get3A_24 = arith.constant 0 : index
    %get3A_25 = arith.constant 0 : index
    %get3A_26 = vector.load %arg5[%get3A_24, %get3A_25] : memref<1000x1xf32, #tpu.memory_space<vmem>>, vector<1000x1xf32>
    %mul3A_27 = vector.broadcast %get3A_26 : vector<1000x1xf32> to vector<1000x128xf32>
    %mul3A_28 = arith.mulf %concatenate3A_19, %mul3A_27 : vector<1000x128xf32>
    %get3A_29 = arith.constant 0 : index
    %get3A_30 = arith.constant 0 : index
    %get3A_31 = vector.load %arg7[%get3A_29, %get3A_30] : memref<1x128xf32, #tpu.memory_space<vmem>>, vector<1x128xf32>
    %get3A_32 = arith.constant 0 : index
    %get3A_33 = memref.load %arg8[%get3A_32] : memref<1xf32, #tpu.memory_space<smem>>
    %get3A_34 = arith.constant 0 : index
    %get3A_35 = arith.constant 0 : index
    %get3A_36 = vector.load %arg6[%get3A_34, %get3A_35] : memref<1000x1xf32, #tpu.memory_space<vmem>>, vector<1000x1xf32>
    %mul3A_37 = vector.broadcast %get3A_31 : vector<1x128xf32> to vector<1000x128xf32>
    %mul3A_38 = arith.mulf %mul3A_23, %mul3A_37 : vector<1000x128xf32>
    %reduce_sum3A = arith.constant dense<0.000000e+00> : vector<1000xf32>
    %reduce_sum3A_39 = vector.multi_reduction <add>, %mul3A_38, %reduce_sum3A [1] : vector<1000x128xf32> to vector<1000xf32>
    %broadcast_in_dim3A = vector.shape_cast %reduce_sum3A_39 : vector<1000xf32> to vector<1000x1xf32>
    %add3A = vector.broadcast %get3A_33 : f32 to vector<1000x1xf32>
    %add3A_40 = arith.addf %broadcast_in_dim3A, %add3A : vector<1000x1xf32>
    %mul3A_41 = vector.broadcast %get3A_31 : vector<1x128xf32> to vector<1000x128xf32>
    %mul3A_42 = arith.mulf %mul3A_28, %mul3A_41 : vector<1000x128xf32>
    %reduce_sum3A_43 = arith.constant dense<0.000000e+00> : vector<1000xf32>
    %reduce_sum3A_44 = vector.multi_reduction <add>, %mul3A_42, %reduce_sum3A_43 [1] : vector<1000x128xf32> to vector<1000xf32>
    %broadcast_in_dim3A_45 = vector.shape_cast %reduce_sum3A_44 : vector<1000xf32> to vector<1000x1xf32>
    %add3A_46 = vector.broadcast %get3A_33 : f32 to vector<1000x1xf32>
    %add3A_47 = arith.addf %broadcast_in_dim3A_45, %add3A_46 : vector<1000x1xf32>
    %add3A_48 = arith.addf %get3A_36, %add3A_40 : vector<1000x1xf32>
    %ge3A = arith.constant 0.000000e+00 : f32
    %ge3A_49 = vector.broadcast %ge3A : f32 to vector<1000x1xf32>
    %ge3A_50 = arith.cmpf oge, %add3A_48, %ge3A_49 : vector<1000x1xf32>
    %mul3A_51 = arith.constant 2.000000e-01 : f32
    %mul3A_52 = vector.broadcast %mul3A_51 : f32 to vector<1000x1xf32>
    %mul3A_53 = arith.mulf %mul3A_52, %add3A_48 : vector<1000x1xf32>
    %select_n3A = arith.select %ge3A_50, %add3A_48, %mul3A_53 : vector<1000x1xi1>, vector<1000x1xf32>
    %exp3A = math.exp %select_n3A : vector<1000x1xf32>
    %jit3A = arith.constant -1.000000e+01 : f32
    %jit3A_54 = arith.constant 1.000000e+01 : f32
    %max3A = vector.broadcast %jit3A : f32 to vector<1000x1xf32>
    %max3A_55 = arith.maximumf %max3A, %exp3A : vector<1000x1xf32>
    %min3A = vector.broadcast %jit3A_54 : f32 to vector<1000x1xf32>
    %min3A_56 = arith.minimumf %min3A, %max3A_55 : vector<1000x1xf32>
    %add3A_57 = arith.addf %get3A_36, %add3A_47 : vector<1000x1xf32>
    %ge3A_58 = arith.constant 0.000000e+00 : f32
    %ge3A_59 = vector.broadcast %ge3A_58 : f32 to vector<1000x1xf32>
    %ge3A_60 = arith.cmpf oge, %add3A_57, %ge3A_59 : vector<1000x1xf32>
    %mul3A_61 = arith.constant 2.000000e-01 : f32
    %mul3A_62 = vector.broadcast %mul3A_61 : f32 to vector<1000x1xf32>
    %mul3A_63 = arith.mulf %mul3A_62, %add3A_57 : vector<1000x1xf32>
    %select_n3A_64 = arith.select %ge3A_60, %add3A_57, %mul3A_63 : vector<1000x1xi1>, vector<1000x1xf32>
    %exp3A_65 = math.exp %select_n3A_64 : vector<1000x1xf32>
    %jit3A_66 = arith.constant -1.000000e+01 : f32
    %jit3A_67 = arith.constant 1.000000e+01 : f32
    %max3A_68 = vector.broadcast %jit3A_66 : f32 to vector<1000x1xf32>
    %max3A_69 = arith.maximumf %max3A_68, %exp3A_65 : vector<1000x1xf32>
    %min3A_70 = vector.broadcast %jit3A_67 : f32 to vector<1000x1xf32>
    %min3A_71 = arith.minimumf %min3A_70, %max3A_69 : vector<1000x1xf32>
    %add3A_72 = arith.addf %min3A_56, %min3A_71 : vector<1000x1xf32>
    %div3A = arith.constant 1.000000e+00 : f32
    %div3A_73 = vector.broadcast %div3A : f32 to vector<1000x1xf32>
    %div3A_74 = arith.divf %div3A_73, %add3A_72 : vector<1000x1xf32>
    %mul3A_75 = arith.mulf %min3A_56, %div3A_74 : vector<1000x1xf32>
    %mul3A_76 = vector.broadcast %mul3A_75 : vector<1000x1xf32> to vector<1000x128xf32>
    %mul3A_77 = arith.mulf %mul3A_76, %mul3A_23 : vector<1000x128xf32>
    %mul3A_78 = arith.mulf %min3A_71, %div3A_74 : vector<1000x1xf32>
    %mul3A_79 = vector.broadcast %mul3A_78 : vector<1000x1xf32> to vector<1000x128xf32>
    %mul3A_80 = arith.mulf %mul3A_79, %mul3A_28 : vector<1000x128xf32>
    %add3A_81 = arith.addf %mul3A_77, %mul3A_80 : vector<1000x128xf32>
    %get3A_82 = arith.constant 0 : index
    %get3A_83 = arith.constant 0 : index
    %get3A_84 = vector.load %arg9[%get3A_82, %get3A_83] : memref<128x128xf32, #tpu.memory_space<vmem>>, vector<128x128xf32>
    %transpose3A = tpu.transpose %get3A_84, [1, 0] : vector<128x128xf32> -> vector<128x128xf32>
    %dot_general3A = arith.constant dense<0.000000e+00> : vector<1000x128xf32>
    %dot_general3A_85 = tpu.matmul %add3A_81, %transpose3A, %dot_general3A {dimension_numbers = #tpu.dot_dimension_numbers<[1], [0], [0], [1], [0, 0, 1, 1], [], []>, transpose_lhs_hint = false} : vector<1000x128xf32>, vector<128x128xf32>, vector<1000x128xf32> -> vector<1000x128xf32>
    %get3A_86 = arith.constant 0 : index
    %get3A_87 = vector.load %arg10[%get3A_86] : memref<128xf32, #tpu.memory_space<vmem>>, vector<128xf32>
    %broadcast_in_dim3A_88 = vector.shape_cast %get3A_87 : vector<128xf32> to vector<1x128xf32>
    %add3A_89 = vector.broadcast %broadcast_in_dim3A_88 : vector<1x128xf32> to vector<1000x128xf32>
    %add3A_90 = arith.addf %dot_general3A_85, %add3A_89 : vector<1000x128xf32>
    %swap3A = arith.constant 0 : index
    %swap3A_91 = arith.constant 0 : index
    %swap3A_92 = vector.load %arg11[%swap3A, %swap3A_91] : memref<1000x128xf32, #tpu.memory_space<vmem>>, vector<1000x128xf32>
    tpu.vector_store %arg11[%swap3A, %swap3A_91], %add3A_90 {strides = array<i32>} : memref<1000x128xf32, #tpu.memory_space<vmem>>, vector<1000x128xf32>,
    return
  }
  func.func @transform_0(%arg0: i32) -> (i32, i32) {
    %c0_i32 = arith.constant 0 : i32
    %c0_i32_0 = arith.constant 0 : i32
    return %arg0, %c0_i32 : i32, i32
  }
  func.func @transform_1(%arg0: i32) -> (i32, i32, i32) {
    %c0_i32 = arith.constant 0 : i32
    %c0_i32_0 = arith.constant 0 : i32
    %c0_i32_1 = arith.constant 0 : i32
    return %c0_i32, %arg0, %c0_i32_0 : i32, i32, i32
  }
  func.func @transform_2(%arg0: i32) -> (i32, i32, i32) {
    %c0_i32 = arith.constant 0 : i32
    %c0_i32_0 = arith.constant 0 : i32
    %c0_i32_1 = arith.constant 0 : i32
    return %c0_i32, %arg0, %c0_i32_0 : i32, i32, i32
  }
  func.func @transform_3(%arg0: i32) -> (i32, i32) {
    %c0_i32 = arith.constant 0 : i32
    %c0_i32_0 = arith.constant 0 : i32
    return %arg0, %c0_i32 : i32, i32
  }
  func.func @transform_4(%arg0: i32) -> (i32, i32) {
    %c0_i32 = arith.constant 0 : i32
    %c0_i32_0 = arith.constant 0 : i32
    return %arg0, %c0_i32 : i32, i32
  }
  func.func @transform_5(%arg0: i32) -> (i32, i32) {
    %c0_i32 = arith.constant 0 : i32
    %c0_i32_0 = arith.constant 0 : i32
    return %arg0, %c0_i32 : i32, i32
  }
  func.func @transform_6(%arg0: i32) -> (i32, i32) {
    %c0_i32 = arith.constant 0 : i32
    %c0_i32_0 = arith.constant 0 : i32
    %c0_i32_1 = arith.constant 0 : i32
    return %c0_i32, %c0_i32_0 : i32, i32
  }
  func.func @transform_7(%arg0: i32) -> i32 {
    %c0_i32 = arith.constant 0 : i32
    %c0_i32_0 = arith.constant 0 : i32
    return %c0_i32 : i32
  }
  func.func @transform_8(%arg0: i32) -> (i32, i32) {
    %c0_i32 = arith.constant 0 : i32
    %c0_i32_0 = arith.constant 0 : i32
    %c0_i32_1 = arith.constant 0 : i32
    return %c0_i32, %c0_i32_0 : i32, i32
  }
  func.func @transform_9(%arg0: i32) -> i32 {
    %c0_i32 = arith.constant 0 : i32
    %c0_i32_0 = arith.constant 0 : i32
    return %c0_i32 : i32
  }
  func.func @transform_10(%arg0: i32) -> (i32, i32) {
    %c0_i32 = arith.constant 0 : i32
    %c0_i32_0 = arith.constant 0 : i32
    return %arg0, %c0_i32 : i32, i32
  }
}

</mosaic_0001>

<sc_bundles>
// kernel: kernel.6.cloned.1.call-start
scs
__scs_entry_jumppad:
0x0: {  	(pc) =	sbr.rel $0x88, $3  }
0x1: {  	(tag) =	ssettag $0x0;
	lr =	simm.s32 $0x1  }
0x2: {  	[smem:$0x3F96] =	sst lr;
	_ =	strace $0xD0000000  }
0x3: {  	_ = 	snop  }
0x4: {  	_ = 	snop  }
0x5: {  	_ = 	snop  }
0x6: {  	_ = 	snop  }
0x7: {  	_ = 	snop  }
__scs_overlays_trampoline_lowered:
0x8: {  	[smem:$0x3FA5] =	sst s0  }
0x9: {  	[smem:$0x3FA6] =	sst s1  }
0xa: {  	[smem:$0x3FA7] =	sst s2  }
0xb: {  	[smem:$0x3FA8] =	sst s3  }
0xc: {  	[smem:$0x3FA9] =	sst s4  }
0xd: {  	[smem:$0x3FAA] =	sst s5  }
0xe: {  	[smem:$0x3FAB] =	sst s6  }
0xf: {  	[smem:$0x3FAC] =	sst s7  }
0x10: {  	[smem:$0x3FAD] =	sst s8  }
0x11: {  	[smem:$0x3FAE] =	sst s9;
	s0 =	simm.s32 @!p0 $0x0  }
0x12: {  	s1 =	sld [smem:$0x3F94];
	s0 =	simm.s32 @p0 $0x1  }
0x13: {  	[smem:$0x3FAF] =	sst s0;
	s0 =	simm.s32 @!p1 $0x0  }
0x14: {  	s2 =	sld [smem:$0x3F93];
	s0 =	simm.s32 @p1 $0x1  }
0x15: {  	[smem:$0x3FB0] =	sst s0;
	s0 =	simm.s32 @!p2 $0x0  }
0x16: {  	s3 =	sld [smem:$0x3FDB];
	s0 =	simm.s32 @p2 $0x1  }
0x17: {  	s4 =	simm.s32 $0x1BF5;
	[smem:$0x3FB2] =	sst s0  }
0x18: {  	s0 =	sld [smem:$0x3F95];
	_ =	swait.ge [sflag:s4], $0x0  }
0x19: {  	s7 =	sld [smem:$0x3F96]  }
0x1a: {  	s8 =	sadd.s32 $0xFFFFE003, lr  }
0x1b: {  	s9 =	sadd.s32 $0xFFFFFEF7, lr;
	s5 =	simm.s32 $0xFFFFFFFF;
	p2 =	slt.u32 s8, $0xFFFFF086  }
0x1c: {  	p1 =	slt.u32 s9, $0xF7A;
	s5 =	simm.s32 @!p2 $0x0  }
0x1d: {  	s5 =	simm.s32 @p1 $0x1;
	p0 =	seq.s32 s7, s2  }
0x1e: {  	s7 =	smul.u32 @!p0 $0xF7A, s2;
	p2 =	seq.s32 @!p0 s5, $0x0  }
0x1f: {  	s9 =	smul.u32 $0xF7A, s1;
	s8 =	simm.s32 @!p0 $0x1BF5;
	p2 =	por !p2, p0  }
0x20: {  	[sflag:s8] =	ssyncset.s32 @!p0 $0xFFFFF086;
	s6 =	sadd.s32 @!p0 s3, s7;
	s7 =	simm.s32 @!p0 $0x108  }
0x21: {  	s3 =	sadd.s32 s3, s9;
	s6 =	sadd.s32 @!p0 $0x88, s6;
	s7 =	simm.s32 @p2 $0x1082  }
0x22: {  	[simem:s7], [sflag:s8] =	dma.local @!p0 [hbm:s6], $0xF7A  }
0x23: {  	s9 =	sor.u32 $0xD0000000, s2;
	s6 =	simm.s32 $0x108;
	_ =	swait.ge @!p0 [sflag:s8], $0x0  }
0x24: {  	s3 =	sadd.s32 $0x88, s3;
	s6 =	simm.s32 @!p1 $0x1082;
	[sflag:s4] =	ssyncset.s32 $0xFFFFF086  }
0x25: {  	[simem:s6], [sflag:s4] =	dma.local [hbm:s3], $0xF7A  }
0x26: {  	[smem:$0x3F96] =	sst s1;
	(tag) =	ssettag s2;
	_ =	strace s9  }
0x27: {  	s1 =	sld [smem:$0x3FA6]  }
0x28: {  	s2 =	sld [smem:$0x3FA7]  }
0x29: {  	s4 =	sld [smem:$0x3FA9]  }
0x2a: {  	p0 =	seq.s32 s5, $0x0;
	s5 =	sld [smem:$0x3FAA]  }
0x2b: {  	s6 =	sld [smem:$0x3FAB]  }
0x2c: {  	s7 =	sld [smem:$0x3FAC]  }
0x2d: {  	s3 =	simm.s32 $0x108;
	s8 =	sld [smem:$0x3FAD]  }
0x2e: {  	s3 =	simm.s32 @!p0 $0x1082;
	s9 =	sld [smem:$0x3FAE]  }
0x2f: {  	lr =	sadd.s32 s0, s3;
	s0 =	sld [smem:$0x3FA5]  }
0x30: {  	s3 =	sld [smem:$0x3FA8]  }
0x31: {  	[smem:$0x3FB1] =	sst s10  }
0x32: {  	s10 =	sld [smem:$0x3FAF];
	_ =	sdelay $0x3  }
0x33: {  	p0 =	seq.s32 s10, $0x1;
	s10 =	sld [smem:$0x3FB1];
	_ =	sdelay $0x3  }
0x34: {  	[smem:$0x3FB1] =	sst s10  }
0x35: {  	s10 =	sld [smem:$0x3FB0];
	_ =	sdelay $0x3  }
0x36: {  	p1 =	seq.s32 s10, $0x1;
	s10 =	sld [smem:$0x3FB1];
	_ =	sdelay $0x3  }
0x37: {  	[smem:$0x3FB1] =	sst s10  }
0x38: {  	s10 =	sld [smem:$0x3FB2]  }
0x39: {  	_ = 	snop;
	(pc) =	sbr.ind lr, $3  }
0x3a: {  	_ = 	snop  }
0x3b: {  	_ = 	snop  }
0x3c: {  	p2 =	seq.s32 s10, $0x1;
	s10 =	sld [smem:$0x3FB1]  }
0x3d: {  	_ =	shalt  }
0x3e: {  	_ =	shalt  }
0x3f: {  	_ =	shalt  }
0x40: {  	_ =	shalt  }
0x41: {  	_ =	shalt  }
0x42: {  	_ =	shalt  }
0x43: {  	_ =	shalt  }
0x44: {  	_ =	shalt  }
0x45: {  	_ =	shalt  }
0x46: {  	_ =	shalt  }
0x47: {  	_ =	shalt  }
0x48: {  	_ =	shalt  }
0x49: {  	_ =	shalt  }
0x4a: {  	_ =	shalt  }
0x4b: {  	_ =	shalt  }
0x4c: {  	_ =	shalt  }
0x4d: {  	_ =	shalt  }
0x4e: {  	_ =	shalt  }
0x4f: {  	_ =	shalt  }
0x50: {  	_ =	shalt  }
0x51: {  	_ =	shalt  }
0x52: {  	_ =	shalt  }
0x53: {  	_ =	shalt  }
0x54: {  	_ =	shalt  }
0x55: {  	_ =	shalt  }
0x56: {  	_ =	shalt  }
0x57: {  	_ =	shalt  }
0x58: {  	_ =	shalt  }
0x59: {  	_ =	shalt  }
0x5a: {  	_ =	shalt  }
0x5b: {  	_ =	shalt  }
0x5c: {  	_ =	shalt  }
0x5d: {  	_ =	shalt  }
0x5e: {  	_ =	shalt  }
0x5f: {  	_ =	shalt  }
0x60: {  	_ =	shalt  }
0x61: {  	_ =	shalt  }
0x62: {  	_ =	shalt  }
0x63: {  	_ =	shalt  }
0x64: {  	_ =	shalt  }
0x65: {  	_ =	shalt  }
0x66: {  	_ =	shalt  }
0x67: {  	_ =	shalt  }
0x68: {  	_ =	shalt  }
0x69: {  	_ =	shalt  }
0x6a: {  	_ =	shalt  }
0x6b: {  	_ =	shalt  }
0x6c: {  	_ =	shalt  }
0x6d: {  	_ =	shalt  }
0x6e: {  	_ =	shalt  }
0x6f: {  	_ =	shalt  }
0x70: {  	_ =	shalt  }
0x71: {  	_ =	shalt  }
0x72: {  	_ =	shalt  }
0x73: {  	_ =	shalt  }
0x74: {  	_ =	shalt  }
0x75: {  	_ =	shalt  }
0x76: {  	_ =	shalt  }
0x77: {  	_ =	shalt  }
0x78: {  	_ =	shalt  }
0x79: {  	_ =	shalt  }
0x7a: {  	_ =	shalt  }
0x7b: {  	_ =	shalt  }
0x7c: {  	_ =	shalt  }
0x7d: {  	_ =	shalt  }
0x7e: {  	_ =	shalt  }
0x7f: {  	_ =	shalt  }
0x80: {  	_ =	shalt  }
0x81: {  	_ =	shalt  }
0x82: {  	_ =	shalt  }
0x83: {  	_ =	shalt  }
0x84: {  	_ =	shalt  }
0x85: {  	_ =	shalt  }
0x86: {  	_ =	shalt  }
0x87: {  	_ =	shalt  }
.Lfunc_end0:
.L_simem_size_0:
called_computation_lowered:
.L_overlay_start_0:
0x88: {  	s2 =	sld [smem:$0x3FD9]  }
0x89: {  	s3 =	sld [smem:$0x3FFE];
	_ =	sdelay $0x1  }
0x8a: {  	s1 =	srdreg.scid  }
0x8b: {  	s0 =	sand.u32 $0x1, s1  }
0x8c: {  	s17 =	sshll.u32 s0, $0xA;
	s2 =	sadd.s32 s3, s2  }
0x8d: {  	s2 =	sadd.s32 s2, s17  }
0x8e: {  	[smem:$0x3FBD] =	sst s2  }
0x8f: {  	_ = 	snop  }
0x90: {  	s2 =	sld [smem:$0x3FD0];
	(tm) =	ssettm $0x1  }
0x91: {  	s18 =	sld [smem:$0x3FFB];
	_ =	sdelay $0x3  }
0x92: {  	_ =	strace s18  }
0x93: {  	s3 =	sld [smem:$0x3FFC];
	_ =	sdelay $0x3  }
0x94: {  	_ =	strace s3  }
0x95: {  	s3 =	sld [smem:$0x3FFD];
	_ =	sdelay $0x3  }
0x96: {  	_ =	strace s3  }
0x97: {  	_ =	strace $0x8FFFFFFF  }
0x98: {  	s19 =	sld [smem:$0x3FDB];
	_ =	sdelay $0x1  }
0x99: {  	s4 =	simm.s32 $_scs_section_size  }
0x9a: {  	s5 =	simm.s32 $_size__tile_overlayer_lowered;
	s6 =	simm.s32 $_tile_overlayer_lowered  }
0x9b: {  	s22 =	simm.s32 $0x1BFF;
	s21 =	sshll.u32 s6, $0x1;
	s3 =	sadd.s32 s4, s19  }
0x9c: {  	s7 =	simm.s32 $0x0;
	s20 =	sshll.u32 s5, $0x1;
	s5 =	sadd.s32 s21, s3  }
0x9d: {  	[timem:s7], [sflag:s22] =	dma.local [hbm:s5], s20  }
0x9e: {  	_ =	swait.ge [sflag:s22], s20  }
0x9f: {  	s4 =	ssub.s32 $0x0, s20;
	[sflag:s22] =	ssyncset.done $0x0  }
0xa0: {  	[sflag:s22] =	ssyncadd.s32 s4;
	_ =	sdelay $0x1  }
0xa1: {  	s23 =	simm.s32 $0x1B8B  }
0xa2: {  	_ =	swait.ge [sflag:s23], $0x1  }
0xa3: {  	[sflag:s23] =	ssyncset.done $0x0  }
0xa4: {  	s25 =	simm.s32 $0x1B8E;
	s24 =	sld [smem:$0x3FFE];
	[sflag:s23] =	ssyncadd.s32 $0xFFFFFFFF  }
0xa5: {  	s26 =	simm.s32 $execute0_lowered;
	[smem:$0x3FD2] =	sst s25  }
0xa6: {  	s5 =	sshll.u32 s26, $0x1;
	_ =	strace $0x80000046;
	[dreg:$0x1] =	wrdreg $0xFFFFFFFF  }
0xa7: {  	s28 =	simm.s32 $_size_execute0_lowered;
	s3 =	sadd.s32 s3, s5;
	[dreg:$0x0] =	wrdreg $0x0  }
0xa8: {  	s5 =	sshll.u32 s28, $0x1;
	[dreg:$0x2] =	wrdreg s3  }
0xa9: {  	[dreg:$0x3] =	wrdreg s5  }
0xaa: {  	[dreg:$0x4] =	wrdreg $0xC0  }
0xab: {  	_ =	task [dreg:s7], $0x5FFFF  }
0xac: {  	[dreg:$0x1] =	wrdreg $0xFFFFFFFF  }
0xad: {  	[dreg:$0x0] =	wrdreg $0x60  }
0xae: {  	[dreg:$0x2] =	wrdreg s24  }
0xaf: {  	[dreg:$0x3] =	wrdreg s2  }
0xb0: {  	[dreg:$0x4] =	wrdreg $0x60000  }
0xb1: {  	[dreg:$0x5] =	wrdreg $0x9  }
0xb2: {  	_ =	task.clear_ibuf [dreg:s7], $0x6FFFF;
	_ =	strace $0x90000046  }
0xb3: {  	s29 =	simm.s32 $0x9;
	_ =	strace $0x80000048  }
0xb4: {  	_ =	swait.ge [sflag:s29], $0x1  }
0xb5: {  	[sflag:s29] =	ssyncadd.s32 $0xFFFFFFFF  }
0xb6: {  	_ =	strace $0x90000048  }
0xb7: {  	_ =	sfence  }
0xb8: {  	s30 =	sld [smem:$0x0];
	_ =	sdelay $0x2  }
0xb9: {  	s31 =	sshll.u32 s1, $0xD;
	s1 =	sshrl.u32 s1, $0x2  }
0xba: {  	s3 =	sand.u32 $0x4000, s31;
	s1 =	sadd.s32 s1, s30  }
0xbb: {  	s0 =	sor.u32 s3, s0;
	s1 =	sshll.u32 s1, $0x11  }
0xbc: {  	s0 =	sor.u32 s1, s0  }
0xbd: {  	s0 =	sadd.s32 $0x8F2B, s0  }
0xbe: {  	[sflag:s0] =	ssyncadd.remote.s32 $0x1  }
0xbf: {  	_ =	sfence.sel $0xFFFF  }
0xc0: {  	[dreg:$0x0] =	wrdreg $0xFFFFFFFF;
	(pc) =	sbr.abs _section_cstart, $3  }
0xc1: {  	[dreg:$0x1] =	wrdreg $0xFFFFFFFF  }
0xc2: {  	_ =	task.clear_ibuf [dreg:s7], $0x2FFFF;
	_ =	strace $0x9FFFFFFF  }
0xc3: {  	(tm) =	ssettm $0x7FFFFFFF  }
tec
execute0_lowered:
.L_overlay_start_1:
0x0: {  	(tag) =	ssettag $0x1  }
0x1: {  	s5 =	rddreg [dreg:$0x0]  }
0x2: {  	s8 =	rddreg [dreg:$0x1]  }
0x3: {  	s0 =	srdreg.scid;
	s2 =	rddreg [dreg:$0x2]  }
0x4: {  	s3 =	simm.s32 $0x0;
	s16 =	simm.s32 $0x1;
	s17 =	simm.s32 $0x5800  }
0x5: {  	s18 =	simm.s32 $0x80;
	s4 =	sand.u32 $0x1, s0;
	s0 =	stileid.u32  }
0x6: {  	s19 =	simm.s32 $0x5000;
	s20 =	simm.s32 $0x0;
	s7 =	smul.u32 $0x280, s0  }
0x7: {  	[smem:$0x7FF] =	sst s3;
	s1 =	sshll.u32 s4, $0x4;
	s9 =	smul.u32 $0xA000, s0  }
0x8: {  	s10 =	ssub.s32 $0x2, s4;
	s4 =	smul.u32 $0x2800, s4;
	s1 =	sor.u32 s0, s1  }
0x9: {  	s29 =	sshrl.u32 s10, $0x1;
	s6 =	smul.u32 $0xA00, s1;
	s1 =	rddreg [dreg:$0x3]  }
0xa: {  	_ =	strace $0x80000047;
	s15 =	ssub.s32 s10, s29;
	s7 =	sadd.s32 s7, s4  }
0xb: {  	s30 =	sshrl.u32 s9, $0x2;
	s31 =	sshll.u32 s7, $0x1;
	s5 =	sadd.s32 s6, s5  }
0xc: {  	s15 =	smax.u32 s15, $0x1;
	s8 =	sadd.s32 s8, s31;
	s4 =	sadd.s32 $0x1400, s5  }
0xd: {  	s5 =	sadd.s32 s30, s2;
	s11 =	sadd.s32 $0x100, s8;
	s12 =	sadd.s32 $0x200, s8  }
0xe: {  	s13 =	sadd.s32 $0x300, s8;
	s14 =	sadd.s32 $0x400, s8;
	s6 =	sadd.s32 $0x800, s5  }
0xf: {  	v0 =	vimm.f32 $1.000000000e+00;
	v1 =	vimm.f32 $0.0e+00;
	s7 =	sadd.s32 $0x1000, s5;
	s9 =	sadd.s32 $0x1800, s5;
	s10 =	sadd.s32 $0x2000, s5  }
.LBB2_1:
0x10: {  	[tilespmem:s3], [sflag:$0x1] =	stream.linear.gather [hbm4b:s4+s3], $0x5000, $0x38;
	[tilespmem:$0x8800] =	vst v63  }
0x11: {  	_ =	swait.ge [sflag:s16], $0x5000  }
0x12: {  	[sflag:s16] =	ssyncset.done $0x0  }
0x13: {  	s21 =	simm.s32 $0x40;
	s22 =	simm.s32 $0x0;
	[sflag:s16] =	ssyncadd.s32 $0xFFFFB000  }
.LBB2_2:
0x14: {  	p0 =	sne.s32 s21, $0x1FC0;
	[tilespmem:s22+$0x5000] =	vst v0;
	s23 =	smov.u32 s21;
	s21 =	sadd.s32 $0x40, s21  }
.Ltmp0:
0x15: {  	[tilespmem:s22+$0x5800] =	vst v1;
	(pc) =	sbr.rel @p0 .LBB2_2-.Ltmp0, $2  }
0x16: {  	_ =	sdelay $0x2  }
0x17: {  	s22 =	sshra.s32 s23, $0x2  }
0x18: {  	[tilespmem:s22+$0x5000] =	vst v0  }
0x19: {  	[tilespmem:s22+$0x5800] =	vst v1  }
0x1a: {  	[spmem:s5] =	stream.linear.scatter [tilespmem:s17], [sflag:$0x1], $0x800, $0x38;
	[tilespmem:$0x8800] =	vst v63  }
0x1b: {  	_ =	swait.ge [sflag:s16], $0x800  }
0x1c: {  	[sflag:s16] =	ssyncset.done $0x0  }
0x1d: {  	[sflag:s16] =	ssyncadd.s32 $0xFFFFF800  }
0x1e: {  	[spmem:s6] =	stream.linear.scatter [tilespmem:s17], [sflag:$0x1], $0x800, $0x38;
	[tilespmem:$0x8800] =	vst v63  }
0x1f: {  	_ =	swait.ge [sflag:s16], $0x800  }
0x20: {  	[sflag:s16] =	ssyncset.done $0x0  }
0x21: {  	[sflag:s16] =	ssyncadd.s32 $0xFFFFF800  }
0x22: {  	[spmem:s7] =	stream.linear.scatter [tilespmem:s17], [sflag:$0x1], $0x800, $0x38;
	[tilespmem:$0x8800] =	vst v63  }
0x23: {  	_ =	swait.ge [sflag:s16], $0x800  }
0x24: {  	[sflag:s16] =	ssyncset.done $0x0  }
0x25: {  	[sflag:s16] =	ssyncadd.s32 $0xFFFFF800  }
0x26: {  	[spmem:s9] =	stream.linear.scatter [tilespmem:s17], [sflag:$0x1], $0x800, $0x38;
	[tilespmem:$0x8800] =	vst v63  }
0x27: {  	_ =	swait.ge [sflag:s16], $0x800  }
0x28: {  	[sflag:s16] =	ssyncset.done $0x0  }
0x29: {  	[sflag:s16] =	ssyncadd.s32 $0xFFFFF800  }
0x2a: {  	[spmem:s10] =	stream.linear.scatter [tilespmem:s17], [sflag:$0x1], $0x800, $0x38;
	[tilespmem:$0x8800] =	vst v63  }
0x2b: {  	_ =	swait.ge [sflag:s16], $0x800  }
0x2c: {  	[sflag:s16] =	ssyncset.done $0x0  }
0x2d: {  	[sflag:s16] =	ssyncadd.s32 $0xFFFFF800  }
0x2e: {  	s21 =	simm.s32 $0x0;
	[bflag:$0x0] =	sbarrier.arrive $0xFFFF  }
0x2f: {  	[spmem:s2] =	stream.indirect.scatter.add.f32 [tilespmem:s19], [sflag:$0x1], $0x10, s21, s18, $0xb8;
	[tilespmem:$0x8800] =	vst v63  }
0x30: {  	_ =	swait.ge [sflag:s16], $0x800  }
0x31: {  	s21 =	simm.s32 $0x200;
	[sflag:s16] =	ssyncset.done $0x0  }
.LBB2_4:
0x32: {  	s22 =	sshra.s32 s21, $0x2;
	[sflag:s16] =	ssyncadd.s32 $0xFFFFF800;
	p0 =	sne.s32 s21, $0x13E00  }
0x33: {  	[spmem:s2] =	stream.indirect.scatter.add.f32 [tilespmem:s19], [sflag:$0x1], $0x10, s22, s18, $0xb8;
	[tilespmem:$0x8800] =	vst v63  }
.Ltmp1:
0x34: {  	_ = 	snop;
	(pc) =	sbr.rel @p0 .LBB2_4-.Ltmp1, $4  }
0x35: {  	_ = 	snop  }
0x36: {  	s21 =	sadd.s32 $0x200, s21  }
0x37: {  	_ =	swait.ge [sflag:s16], $0x800  }
0x38: {  	[sflag:s16] =	ssyncset.done $0x0  }
0x39: {  	[sflag:s16] =	ssyncadd.s32 $0xFFFFF800  }
0x3a: {  	[bflag:$0x0] =	sbarrier.arrive $0xFFFF  }
0x3b: {  	[tilespmem:s17], [sflag:$0x1] =	stream.linear.gather [spmem:s5], $0x800, $0x38;
	[tilespmem:$0x8800] =	vst v63  }
0x3c: {  	_ =	swait.ge [sflag:s16], $0x800  }
0x3d: {  	[sflag:s16] =	ssyncset.done $0x0  }
0x3e: {  	[sflag:s16] =	ssyncadd.s32 $0xFFFFF800  }
0x3f: {  	[hbm4b:s8+s3] =	stream.linear.scatter [tilespmem:s17], [sflag:$0x1], $0x800, $0x38;
	[tilespmem:$0x8800] =	vst v63  }
0x40: {  	_ =	swait.ge [sflag:s16], $0x800  }
0x41: {  	[sflag:s16] =	ssyncset.done $0x0  }
0x42: {  	[sflag:s16] =	ssyncadd.s32 $0xFFFFF800  }
0x43: {  	[tilespmem:s17], [sflag:$0x1] =	stream.linear.gather [spmem:s6], $0x800, $0x38;
	[tilespmem:$0x8800] =	vst v63  }
0x44: {  	_ =	swait.ge [sflag:s16], $0x800  }
0x45: {  	[sflag:s16] =	ssyncset.done $0x0  }
0x46: {  	[sflag:s16] =	ssyncadd.s32 $0xFFFFF800  }
0x47: {  	[hbm4b:s11+s3] =	stream.linear.scatter [tilespmem:s17], [sflag:$0x1], $0x800, $0x38;
	[tilespmem:$0x8800] =	vst v63  }
0x48: {  	_ =	swait.ge [sflag:s16], $0x800  }
0x49: {  	[sflag:s16] =	ssyncset.done $0x0  }
0x4a: {  	[sflag:s16] =	ssyncadd.s32 $0xFFFFF800  }
0x4b: {  	[tilespmem:s17], [sflag:$0x1] =	stream.linear.gather [spmem:s7], $0x800, $0x38;
	[tilespmem:$0x8800] =	vst v63  }
0x4c: {  	_ =	swait.ge [sflag:s16], $0x800  }
0x4d: {  	[sflag:s16] =	ssyncset.done $0x0  }
0x4e: {  	[sflag:s16] =	ssyncadd.s32 $0xFFFFF800  }
0x4f: {  	[hbm4b:s12+s3] =	stream.linear.scatter [tilespmem:s17], [sflag:$0x1], $0x800, $0x38;
	[tilespmem:$0x8800] =	vst v63  }
0x50: {  	_ =	swait.ge [sflag:s16], $0x800  }
0x51: {  	[sflag:s16] =	ssyncset.done $0x0  }
0x52: {  	[sflag:s16] =	ssyncadd.s32 $0xFFFFF800  }
0x53: {  	[tilespmem:s17], [sflag:$0x1] =	stream.linear.gather [spmem:s9], $0x800, $0x38;
	[tilespmem:$0x8800] =	vst v63  }
0x54: {  	_ =	swait.ge [sflag:s16], $0x800  }
0x55: {  	[sflag:s16] =	ssyncset.done $0x0  }
0x56: {  	[sflag:s16] =	ssyncadd.s32 $0xFFFFF800  }
0x57: {  	[hbm4b:s13+s3] =	stream.linear.scatter [tilespmem:s17], [sflag:$0x1], $0x800, $0x38;
	[tilespmem:$0x8800] =	vst v63  }
0x58: {  	_ =	swait.ge [sflag:s16], $0x800  }
0x59: {  	[sflag:s16] =	ssyncset.done $0x0  }
0x5a: {  	[sflag:s16] =	ssyncadd.s32 $0xFFFFF800  }
0x5b: {  	[tilespmem:s17], [sflag:$0x1] =	stream.linear.gather [spmem:s10], $0x800, $0x38;
	[tilespmem:$0x8800] =	vst v63  }
0x5c: {  	s20 =	sadd.s32 $0x1, s20;
	_ =	swait.ge [sflag:s16], $0x800  }
0x5d: {  	p0 =	sne.s32 s20, s15;
	[sflag:s16] =	ssyncset.done $0x0  }
.Ltmp2:
0x5e: {  	[sflag:s16] =	ssyncadd.s32 $0xFFFFF800;
	(pc) =	sbr.rel @p0 .LBB2_1-.Ltmp2, $4  }
0x5f: {  	[hbm4b:s14+s3] =	stream.linear.scatter [tilespmem:s17], [sflag:$0x1], $0x800, $0x38;
	[tilespmem:$0x8800] =	vst v63  }
0x60: {  	_ =	swait.ge [sflag:s16], $0x800  }
0x61: {  	[sflag:s16] =	ssyncset.done $0x0  }
0x62: {  	[sflag:s16] =	ssyncadd.s32 $0xFFFFF800  }
0x63: {  	_ =	sfence.sel $0x180000  }
0x64: {  	[bflag:$0x0] =	sbarrier.arrive $0xFFFF  }
0x65: {  	p0 =	sne.s32 s0, $0x0;
	_ =	strace $0x90000047  }
0x66: {  	s0 =	sadd.s32 @!p0 $0x100000, s1;
	[bflag:$0x2] =	sbarrier.arrive $0xFFFF  }
0x67: {  	[sflag:s0] =	ssyncadd.tile.s32 @!p0 $0x1;
	_ =	shalt  }
.Lfunc_end2:
_tile_overlayer_lowered:
.L_overlay_start_2:
0x68: {  	(tag) =	ssettag $0x2  }
0x69: {  	s0 =	rddreg [dreg:$0x0];
	s2 =	stileid.u32  }
0x6a: {  	s1 =	rddreg [dreg:$0x1];
	p0 =	sne.s32 s2, $0x0  }
0x6b: {  	s3 =	rddreg [dreg:$0x2];
	[bflag:$0x3] =	sbarrier.arrive $0xFFFF;
	s2 =	simm.s32 @!p0 $0x1C01  }
0x6c: {  	[timem:s3], [sflag:s2] =	dma.local @!p0 [hbm:s0], s1  }
0x6d: {  	s0 =	simm.s32 @!p0 $0x1  }
0x6e: {  	_ =	swait.ge @!p0 [sflag:s0], s1  }
0x6f: {  	s1 =	ssub.s32 @!p0 $0x0, s1;
	[sflag:s0] =	ssyncset.done @!p0 $0x0  }
0x70: {  	[sflag:s0] =	ssyncadd.s32 @!p0 s1  }
0x71: {  	[bflag:$0x3] =	sbarrier.arrive $0xFFFF  }
0x72: {  	_ =	shalt  }

// kernel: kernel.9.cloned.1.call-start
scs
__scs_entry_jumppad:
0x0: {  	(pc) =	sbr.rel $0x88, $3  }
0x1: {  	(tag) =	ssettag $0x0;
	lr =	simm.s32 $0x1  }
0x2: {  	[smem:$0x3F96] =	sst lr;
	_ =	strace $0xD0000000  }
0x3: {  	_ = 	snop  }
0x4: {  	_ = 	snop  }
0x5: {  	_ = 	snop  }
0x6: {  	_ = 	snop  }
0x7: {  	_ = 	snop  }
__scs_overlays_trampoline_lowered:
0x8: {  	[smem:$0x3FA5] =	sst s0  }
0x9: {  	[smem:$0x3FA6] =	sst s1  }
0xa: {  	[smem:$0x3FA7] =	sst s2  }
0xb: {  	[smem:$0x3FA8] =	sst s3  }
0xc: {  	[smem:$0x3FA9] =	sst s4  }
0xd: {  	[smem:$0x3FAA] =	sst s5  }
0xe: {  	[smem:$0x3FAB] =	sst s6  }
0xf: {  	[smem:$0x3FAC] =	sst s7  }
0x10: {  	[smem:$0x3FAD] =	sst s8  }
0x11: {  	[smem:$0x3FAE] =	sst s9;
	s0 =	simm.s32 @!p0 $0x0  }
0x12: {  	s1 =	sld [smem:$0x3F94];
	s0 =	simm.s32 @p0 $0x1  }
0x13: {  	[smem:$0x3FAF] =	sst s0;
	s0 =	simm.s32 @!p1 $0x0  }
0x14: {  	s2 =	sld [smem:$0x3F93];
	s0 =	simm.s32 @p1 $0x1  }
0x15: {  	[smem:$0x3FB0] =	sst s0;
	s0 =	simm.s32 @!p2 $0x0  }
0x16: {  	s3 =	sld [smem:$0x3FDB];
	s0 =	simm.s32 @p2 $0x1  }
0x17: {  	s4 =	simm.s32 $0x1BF5;
	[smem:$0x3FB2] =	sst s0  }
0x18: {  	s0 =	sld [smem:$0x3F95];
	_ =	swait.ge [sflag:s4], $0x0  }
0x19: {  	s7 =	sld [smem:$0x3F96]  }
0x1a: {  	s8 =	sadd.s32 $0xFFFFE003, lr  }
0x1b: {  	s9 =	sadd.s32 $0xFFFFFEF7, lr;
	s5 =	simm.s32 $0xFFFFFFFF;
	p2 =	slt.u32 s8, $0xFFFFF086  }
0x1c: {  	p1 =	slt.u32 s9, $0xF7A;
	s5 =	simm.s32 @!p2 $0x0  }
0x1d: {  	s5 =	simm.s32 @p1 $0x1;
	p0 =	seq.s32 s7, s2  }
0x1e: {  	s7 =	smul.u32 @!p0 $0xF7A, s2;
	p2 =	seq.s32 @!p0 s5, $0x0  }
0x1f: {  	s9 =	smul.u32 $0xF7A, s1;
	s8 =	simm.s32 @!p0 $0x1BF5;
	p2 =	por !p2, p0  }
0x20: {  	[sflag:s8] =	ssyncset.s32 @!p0 $0xFFFFF086;
	s6 =	sadd.s32 @!p0 s3, s7;
	s7 =	simm.s32 @!p0 $0x108  }
0x21: {  	s3 =	sadd.s32 s3, s9;
	s6 =	sadd.s32 @!p0 $0x88, s6;
	s7 =	simm.s32 @p2 $0x1082  }
0x22: {  	[simem:s7], [sflag:s8] =	dma.local @!p0 [hbm:s6], $0xF7A  }
0x23: {  	s9 =	sor.u32 $0xD0000000, s2;
	s6 =	simm.s32 $0x108;
	_ =	swait.ge @!p0 [sflag:s8], $0x0  }
0x24: {  	s3 =	sadd.s32 $0x88, s3;
	s6 =	simm.s32 @!p1 $0x1082;
	[sflag:s4] =	ssyncset.s32 $0xFFFFF086  }
0x25: {  	[simem:s6], [sflag:s4] =	dma.local [hbm:s3], $0xF7A  }
0x26: {  	[smem:$0x3F96] =	sst s1;
	(tag) =	ssettag s2;
	_ =	strace s9  }
0x27: {  	s1 =	sld [smem:$0x3FA6]  }
0x28: {  	s2 =	sld [smem:$0x3FA7]  }
0x29: {  	s4 =	sld [smem:$0x3FA9]  }
0x2a: {  	p0 =	seq.s32 s5, $0x0;
	s5 =	sld [smem:$0x3FAA]  }
0x2b: {  	s6 =	sld [smem:$0x3FAB]  }
0x2c: {  	s7 =	sld [smem:$0x3FAC]  }
0x2d: {  	s3 =	simm.s32 $0x108;
	s8 =	sld [smem:$0x3FAD]  }
0x2e: {  	s3 =	simm.s32 @!p0 $0x1082;
	s9 =	sld [smem:$0x3FAE]  }
0x2f: {  	lr =	sadd.s32 s0, s3;
	s0 =	sld [smem:$0x3FA5]  }
0x30: {  	s3 =	sld [smem:$0x3FA8]  }
0x31: {  	[smem:$0x3FB1] =	sst s10  }
0x32: {  	s10 =	sld [smem:$0x3FAF];
	_ =	sdelay $0x3  }
0x33: {  	p0 =	seq.s32 s10, $0x1;
	s10 =	sld [smem:$0x3FB1];
	_ =	sdelay $0x3  }
0x34: {  	[smem:$0x3FB1] =	sst s10  }
0x35: {  	s10 =	sld [smem:$0x3FB0];
	_ =	sdelay $0x3  }
0x36: {  	p1 =	seq.s32 s10, $0x1;
	s10 =	sld [smem:$0x3FB1];
	_ =	sdelay $0x3  }
0x37: {  	[smem:$0x3FB1] =	sst s10  }
0x38: {  	s10 =	sld [smem:$0x3FB2]  }
0x39: {  	_ = 	snop;
	(pc) =	sbr.ind lr, $3  }
0x3a: {  	_ = 	snop  }
0x3b: {  	_ = 	snop  }
0x3c: {  	p2 =	seq.s32 s10, $0x1;
	s10 =	sld [smem:$0x3FB1]  }
0x3d: {  	_ =	shalt  }
0x3e: {  	_ =	shalt  }
0x3f: {  	_ =	shalt  }
0x40: {  	_ =	shalt  }
0x41: {  	_ =	shalt  }
0x42: {  	_ =	shalt  }
0x43: {  	_ =	shalt  }
0x44: {  	_ =	shalt  }
0x45: {  	_ =	shalt  }
0x46: {  	_ =	shalt  }
0x47: {  	_ =	shalt  }
0x48: {  	_ =	shalt  }
0x49: {  	_ =	shalt  }
0x4a: {  	_ =	shalt  }
0x4b: {  	_ =	shalt  }
0x4c: {  	_ =	shalt  }
0x4d: {  	_ =	shalt  }
0x4e: {  	_ =	shalt  }
0x4f: {  	_ =	shalt  }
0x50: {  	_ =	shalt  }
0x51: {  	_ =	shalt  }
0x52: {  	_ =	shalt  }
0x53: {  	_ =	shalt  }
0x54: {  	_ =	shalt  }
0x55: {  	_ =	shalt  }
0x56: {  	_ =	shalt  }
0x57: {  	_ =	shalt  }
0x58: {  	_ =	shalt  }
0x59: {  	_ =	shalt  }
0x5a: {  	_ =	shalt  }
0x5b: {  	_ =	shalt  }
0x5c: {  	_ =	shalt  }
0x5d: {  	_ =	shalt  }
0x5e: {  	_ =	shalt  }
0x5f: {  	_ =	shalt  }
0x60: {  	_ =	shalt  }
0x61: {  	_ =	shalt  }
0x62: {  	_ =	shalt  }
0x63: {  	_ =	shalt  }
0x64: {  	_ =	shalt  }
0x65: {  	_ =	shalt  }
0x66: {  	_ =	shalt  }
0x67: {  	_ =	shalt  }
0x68: {  	_ =	shalt  }
0x69: {  	_ =	shalt  }
0x6a: {  	_ =	shalt  }
0x6b: {  	_ =	shalt  }
0x6c: {  	_ =	shalt  }
0x6d: {  	_ =	shalt  }
0x6e: {  	_ =	shalt  }
0x6f: {  	_ =	shalt  }
0x70: {  	_ =	shalt  }
0x71: {  	_ =	shalt  }
0x72: {  	_ =	shalt  }
0x73: {  	_ =	shalt  }
0x74: {  	_ =	shalt  }
0x75: {  	_ =	shalt  }
0x76: {  	_ =	shalt  }
0x77: {  	_ =	shalt  }
0x78: {  	_ =	shalt  }
0x79: {  	_ =	shalt  }
0x7a: {  	_ =	shalt  }
0x7b: {  	_ =	shalt  }
0x7c: {  	_ =	shalt  }
0x7d: {  	_ =	shalt  }
0x7e: {  	_ =	shalt  }
0x7f: {  	_ =	shalt  }
0x80: {  	_ =	shalt  }
0x81: {  	_ =	shalt  }
0x82: {  	_ =	shalt  }
0x83: {  	_ =	shalt  }
0x84: {  	_ =	shalt  }
0x85: {  	_ =	shalt  }
0x86: {  	_ =	shalt  }
0x87: {  	_ =	shalt  }
.Lfunc_end0:
.L_simem_size_0:
called_computation.1_lowered:
.L_overlay_start_0:
0x88: {  	s2 =	sld [smem:$0x3FD9]  }
0x89: {  	s3 =	sld [smem:$0x3FFE];
	_ =	sdelay $0x1  }
0x8a: {  	s1 =	srdreg.scid  }
0x8b: {  	s0 =	sand.u32 $0x1, s1  }
0x8c: {  	s17 =	sshll.u32 s0, $0xA;
	s2 =	sadd.s32 s3, s2  }
0x8d: {  	s2 =	sadd.s32 s2, s17  }
0x8e: {  	[smem:$0x3FBD] =	sst s2  }
0x8f: {  	_ = 	snop  }
0x90: {  	s2 =	sld [smem:$0x3FD0];
	(tm) =	ssettm $0x1  }
0x91: {  	s18 =	sld [smem:$0x3FFB];
	_ =	sdelay $0x3  }
0x92: {  	_ =	strace s18  }
0x93: {  	s3 =	sld [smem:$0x3FFC];
	_ =	sdelay $0x3  }
0x94: {  	_ =	strace s3  }
0x95: {  	s3 =	sld [smem:$0x3FFD];
	_ =	sdelay $0x3  }
0x96: {  	_ =	strace s3  }
0x97: {  	_ =	strace $0x8FFFFFFF  }
0x98: {  	s19 =	sld [smem:$0x3FDB];
	_ =	sdelay $0x1  }
0x99: {  	s4 =	simm.s32 $_scs_section_size  }
0x9a: {  	s5 =	simm.s32 $_size__tile_overlayer_lowered;
	s6 =	simm.s32 $_tile_overlayer_lowered  }
0x9b: {  	s22 =	simm.s32 $0x1BFF;
	s21 =	sshll.u32 s6, $0x1;
	s3 =	sadd.s32 s4, s19  }
0x9c: {  	s7 =	simm.s32 $0x0;
	s20 =	sshll.u32 s5, $0x1;
	s5 =	sadd.s32 s21, s3  }
0x9d: {  	[timem:s7], [sflag:s22] =	dma.local [hbm:s5], s20  }
0x9e: {  	_ =	swait.ge [sflag:s22], s20  }
0x9f: {  	s4 =	ssub.s32 $0x0, s20;
	[sflag:s22] =	ssyncset.done $0x0  }
0xa0: {  	[sflag:s22] =	ssyncadd.s32 s4;
	_ =	sdelay $0x1  }
0xa1: {  	s23 =	simm.s32 $0x1B8B  }
0xa2: {  	_ =	swait.ge [sflag:s23], $0x1  }
0xa3: {  	[sflag:s23] =	ssyncset.done $0x0  }
0xa4: {  	s25 =	simm.s32 $0x1B8E;
	s24 =	sld [smem:$0x3FFE];
	[sflag:s23] =	ssyncadd.s32 $0xFFFFFFFF  }
0xa5: {  	s26 =	simm.s32 $execute0_lowered;
	[smem:$0x3FD2] =	sst s25  }
0xa6: {  	s5 =	sshll.u32 s26, $0x1;
	_ =	strace $0x80000049;
	[dreg:$0x1] =	wrdreg $0xFFFFFFFF  }
0xa7: {  	s28 =	simm.s32 $_size_execute0_lowered;
	s3 =	sadd.s32 s3, s5;
	[dreg:$0x0] =	wrdreg $0x0  }
0xa8: {  	s5 =	sshll.u32 s28, $0x1;
	[dreg:$0x2] =	wrdreg s3  }
0xa9: {  	[dreg:$0x3] =	wrdreg s5  }
0xaa: {  	[dreg:$0x4] =	wrdreg $0xC0  }
0xab: {  	_ =	task [dreg:s7], $0x5FFFF  }
0xac: {  	[dreg:$0x1] =	wrdreg $0xFFFFFFFF  }
0xad: {  	[dreg:$0x0] =	wrdreg $0x60  }
0xae: {  	[dreg:$0x2] =	wrdreg s24  }
0xaf: {  	[dreg:$0x3] =	wrdreg s2  }
0xb0: {  	[dreg:$0x4] =	wrdreg $0x120000  }
0xb1: {  	[dreg:$0x5] =	wrdreg $0x9  }
0xb2: {  	_ =	task.clear_ibuf [dreg:s7], $0x6FFFF;
	_ =	strace $0x90000049  }
0xb3: {  	s29 =	simm.s32 $0x9;
	_ =	strace $0x8000004B  }
0xb4: {  	_ =	swait.ge [sflag:s29], $0x1  }
0xb5: {  	[sflag:s29] =	ssyncadd.s32 $0xFFFFFFFF  }
0xb6: {  	_ =	strace $0x9000004B  }
0xb7: {  	_ =	sfence  }
0xb8: {  	s30 =	sld [smem:$0x0];
	_ =	sdelay $0x2  }
0xb9: {  	s31 =	sshll.u32 s1, $0xD;
	s1 =	sshrl.u32 s1, $0x2  }
0xba: {  	s3 =	sand.u32 $0x4000, s31;
	s1 =	sadd.s32 s1, s30  }
0xbb: {  	s0 =	sor.u32 s3, s0;
	s1 =	sshll.u32 s1, $0x11  }
0xbc: {  	s0 =	sor.u32 s1, s0  }
0xbd: {  	s0 =	sadd.s32 $0x8F2B, s0  }
0xbe: {  	[sflag:s0] =	ssyncadd.remote.s32 $0x1  }
0xbf: {  	_ =	sfence.sel $0xFFFF  }
0xc0: {  	[dreg:$0x0] =	wrdreg $0xFFFFFFFF;
	(pc) =	sbr.abs _section_cstart, $3  }
0xc1: {  	[dreg:$0x1] =	wrdreg $0xFFFFFFFF  }
0xc2: {  	_ =	task.clear_ibuf [dreg:s7], $0x2FFFF;
	_ =	strace $0x9FFFFFFF  }
0xc3: {  	(tm) =	ssettm $0x7FFFFFFF  }
tec
execute0_lowered:
.L_overlay_start_1:
0x0: {  	(tag) =	ssettag $0x1  }
0x1: {  	s0 =	rddreg [dreg:$0x0]  }
0x2: {  	s2 =	rddreg [dreg:$0x1]  }
0x3: {  	s1 =	srdreg.scid;
	s3 =	rddreg [dreg:$0x2]  }
0x4: {  	s9 =	stileid.u32;
	s4 =	simm.s32 $0x0;
	s28 =	simm.s32 $0x80  }
0x5: {  	s29 =	simm.s32 $0xA000;
	s30 =	simm.s32 $0xC000;
	s31 =	simm.s32 $0x1  }
0x6: {  	s1 =	sand.u32 $0x1, s1;
	[smem:$0x7FF] =	sst s4;
	s7 =	smul.u32 $0x280, s9  }
0x7: {  	s5 =	sshll.u32 s1, $0x4;
	s8 =	ssub.s32 $0x2, s1;
	s1 =	smul.u32 $0x2800, s1  }
0x8: {  	s13 =	sadd.s32 $0x50600, s0;
	s5 =	sor.u32 s9, s5;
	s9 =	smul.u32 $0x28000, s9  }
0x9: {  	_ =	strace $0x8000004A;
	s10 =	sshrl.u32 s8, $0x1;
	s5 =	smul.u32 $0xA00, s5  }
0xa: {  	s14 =	ssub.s32 s8, s10;
	s1 =	sadd.s32 s7, s1;
	s7 =	simm.s32 $0xE000  }
0xb: {  	s20 =	sshrl.u32 s9, $0x2;
	s1 =	sshll.u32 s1, $0x3;
	s6 =	sadd.s32 s5, s0  }
0xc: {  	s5 =	sadd.s32 $0x29400, s0;
	s0 =	sadd.s32 $0x78600, s0;
	s8 =	sadd.s32 s20, s3  }
0xd: {  	s21 =	sadd.s32 $0x400, s1;
	s23 =	sadd.s32 s13, s1;
	s25 =	sadd.s32 $0x800, s1  }
0xe: {  	s26 =	sadd.s32 $0xC00, s1;
	s22 =	sadd.s32 $0x1000, s1;
	s19 =	sadd.s32 $0x15400, s6  }
0xf: {  	s6 =	sadd.s32 $0x1400, s6;
	s9 =	sadd.s32 $0x2000, s8;
	[dreg:$0x6] =	wrdreg s23  }
0x10: {  	s10 =	sadd.s32 $0x4000, s8;
	s11 =	sadd.s32 $0x6000, s8;
	[dreg:$0x4] =	wrdreg s19  }
0x11: {  	s12 =	sadd.s32 $0x8000, s8;
	s24 =	sadd.s32 s13, s21;
	[dreg:$0x5] =	wrdreg s6  }
0x12: {  	s15 =	sadd.s32 s13, s25;
	s16 =	sadd.s32 s13, s26;
	[dreg:$0x7] =	wrdreg s24  }
0x13: {  	s13 =	sadd.s32 s13, s22;
	s1 =	sadd.s32 s0, s1;
	[dreg:$0x8] =	wrdreg s15  }
0x14: {  	s20 =	sadd.s32 s0, s25;
	s22 =	sadd.s32 s0, s22;
	[dreg:$0x9] =	wrdreg s16  }
0x15: {  	s23 =	smax.u32 s14, $0x1;
	s25 =	simm.s32 $0x9F00;
	[dreg:$0xa] =	wrdreg s13  }
0x16: {  	[dreg:$0xb] =	wrdreg s1;
	s19 =	sadd.s32 s0, s21;
	s21 =	sadd.s32 s0, s26  }
0x17: {  	s24 =	simm.s32 $0x3;
	s26 =	simm.s32 $0x10000;
	s0 =	simm.s32 $0x2  }
0x18: {  	v0 =	vimm.f32 $0.0e+00;
	s1 =	simm.s32 $0x4F80;
	s6 =	simm.s32 $0x9F80;
	s13 =	simm.s32 $0x0  }
.LBB2_1:
0x19: {  	s14 =	rddreg [dreg:$0x4]  }
0x1a: {  	[tilespmem:s4], [sflag:$0x3] =	stream.linear.gather [hbm4b:s14+s4], $0x5000, $0x38;
	[tilespmem:$0x1C000] =	vst v63  }
0x1b: {  	_ =	swait.ge [sflag:s24], $0x5000  }
0x1c: {  	[sflag:s24] =	ssyncset.done $0x0  }
0x1d: {  	s15 =	simm.s32 $0x5000;
	s18 =	rddreg [dreg:$0x5];
	[sflag:s24] =	ssyncadd.s32 $0xFFFFB000  }
0x1e: {  	[tilespmem:s15], [sflag:$0x3] =	stream.linear.gather [hbm4b:s18+s4], $0x5000, $0x38;
	[tilespmem:$0x1C000] =	vst v63  }
0x1f: {  	_ =	swait.ge [sflag:s24], $0x5000  }
0x20: {  	[sflag:s24] =	ssyncset.done $0x0  }
0x21: {  	s14 =	simm.s32 $0x0;
	s15 =	simm.s32 $0x100;
	[sflag:s24] =	ssyncadd.s32 $0xFFFFB000  }
.LBB2_2:
0x22: {  	p0 =	sne.s32 s15, $0x7F00;
	[tilespmem:s14+$0x10030] =	vst v0;
	s16 =	smov.u32 s15;
	s15 =	sadd.s32 $0x100, s15  }
.Ltmp0:
0x23: {  	[tilespmem:s14+$0x10020] =	vst v0;
	(pc) =	sbr.rel @p0 .LBB2_2-.Ltmp0, $3  }
0x24: {  	[tilespmem:s14+$0x10000] =	vst v0  }
0x25: {  	[tilespmem:s14+$0x10010] =	vst v0;
	_ =	sdelay $0x1  }
0x26: {  	s14 =	sshra.s32 s16, $0x2  }
0x27: {  	[tilespmem:s14+$0x10030] =	vst v0  }
0x28: {  	[tilespmem:s14+$0x10020] =	vst v0  }
0x29: {  	[tilespmem:s14+$0x10000] =	vst v0  }
0x2a: {  	[tilespmem:s14+$0x10010] =	vst v0  }
0x2b: {  	[spmem:s8] =	stream.linear.scatter [tilespmem:s26], [sflag:$0x3], $0x2000, $0x38;
	[tilespmem:$0x1C000] =	vst v63  }
0x2c: {  	_ =	swait.ge [sflag:s24], $0x2000  }
0x2d: {  	[sflag:s24] =	ssyncset.done $0x0  }
0x2e: {  	[sflag:s24] =	ssyncadd.s32 $0xFFFFE000  }
0x2f: {  	[spmem:s9] =	stream.linear.scatter [tilespmem:s26], [sflag:$0x3], $0x2000, $0x38;
	[tilespmem:$0x1C000] =	vst v63  }
0x30: {  	_ =	swait.ge [sflag:s24], $0x2000  }
0x31: {  	[sflag:s24] =	ssyncset.done $0x0  }
0x32: {  	[sflag:s24] =	ssyncadd.s32 $0xFFFFE000  }
0x33: {  	[spmem:s10] =	stream.linear.scatter [tilespmem:s26], [sflag:$0x3], $0x2000, $0x38;
	[tilespmem:$0x1C000] =	vst v63  }
0x34: {  	_ =	swait.ge [sflag:s24], $0x2000  }
0x35: {  	[sflag:s24] =	ssyncset.done $0x0  }
0x36: {  	[sflag:s24] =	ssyncadd.s32 $0xFFFFE000  }
0x37: {  	[spmem:s11] =	stream.linear.scatter [tilespmem:s26], [sflag:$0x3], $0x2000, $0x38;
	[tilespmem:$0x1C000] =	vst v63  }
0x38: {  	_ =	swait.ge [sflag:s24], $0x2000  }
0x39: {  	[sflag:s24] =	ssyncset.done $0x0  }
0x3a: {  	[sflag:s24] =	ssyncadd.s32 $0xFFFFE000  }
0x3b: {  	[spmem:s12] =	stream.linear.scatter [tilespmem:s26], [sflag:$0x3], $0x2000, $0x38;
	[tilespmem:$0x1C000] =	vst v63  }
0x3c: {  	_ =	swait.ge [sflag:s24], $0x2000  }
0x3d: {  	[sflag:s24] =	ssyncset.done $0x0  }
0x3e: {  	[sflag:s24] =	ssyncadd.s32 $0xFFFFE000  }
0x3f: {  	s18 =	simm.s32 $0x0;
	[bflag:$0x0] =	sbarrier.arrive $0xFFFF  }
0x40: {  	[tilespmem:s29], [sflag:$0x1] =	stream.indirect.gather [hbm4b:s2+s28], $0x40, s18, s28, $0xb8;
	[tilespmem:$0x1C000] =	vst v63  }
0x41: {  	s15 =	simm.s32 $0x80  }
0x42: {  	[tilespmem:s30], [sflag:$0x2] =	stream.indirect.gather [hbm4b:s2+s28], $0x40, s15, s28, $0xb8;
	[tilespmem:$0x1C000] =	vst v63  }
0x43: {  	_ =	swait.ge [sflag:s31], $0x2000  }
0x44: {  	[sflag:s31] =	ssyncset.done $0x0  }
0x45: {  	s16 =	simm.s32 $0x5000;
	[sflag:s31] =	ssyncadd.s32 $0xFFFFE000  }
0x46: {  	[spmem:s3] =	stream.indirect.scatter.add.f32 [tilespmem:s29], [sflag:$0x3], $0x40, s16, s28, $0xb8;
	[tilespmem:$0x1C000] =	vst v63  }
0x47: {  	_ =	swait.ge [sflag:s24], $0x2000  }
0x48: {  	[sflag:s24] =	ssyncset.done $0x0  }
0x49: {  	s17 =	simm.s32 $0x100;
	[sflag:s24] =	ssyncadd.s32 $0xFFFFE000  }
0x4a: {  	[tilespmem:s29], [sflag:$0x1] =	stream.indirect.gather [hbm4b:s2+s28], $0x40, s17, s28, $0xb8;
	[tilespmem:$0x1C000] =	vst v63  }
0x4b: {  	_ =	swait.ge [sflag:s0], $0x2000  }
0x4c: {  	[sflag:s0] =	ssyncset.done $0x0  }
0x4d: {  	s18 =	simm.s32 $0x5080;
	[sflag:s0] =	ssyncadd.s32 $0xFFFFE000  }
0x4e: {  	[spmem:s3] =	stream.indirect.scatter.add.f32 [tilespmem:s30], [sflag:$0x3], $0x40, s18, s28, $0xb8;
	[tilespmem:$0x1C000] =	vst v63  }
0x4f: {  	_ =	swait.ge [sflag:s24], $0x2000  }
0x50: {  	s14 =	simm.s32 $0x100;
	s15 =	simm.s32 $0x800;
	[sflag:s24] =	ssyncset.done $0x0  }
.LBB2_4:
0x51: {  	s16 =	sadd.s32 $0x80, s14  }
0x52: {  	[sflag:s24] =	ssyncadd.s32 $0xFFFFE000;
	s17 =	smov.u32 s15;
	s18 =	sadd.s32 $0x400, s15  }
0x53: {  	[tilespmem:s30], [sflag:$0x2] =	stream.indirect.gather [hbm4b:s2+s28], $0x40, s16, s28, $0xb8;
	[tilespmem:$0x1C000] =	vst v63  }
0x54: {  	p0 =	sne.s32 s15, $0x13800;
	_ =	swait.ge [sflag:s31], $0x2000  }
0x55: {  	[sflag:s31] =	ssyncset.done $0x0  }
0x56: {  	s15 =	sadd.s32 $0x5000, s14;
	[sflag:s31] =	ssyncadd.s32 $0xFFFFE000  }
0x57: {  	[spmem:s3] =	stream.indirect.scatter.add.f32 [tilespmem:s29], [sflag:$0x3], $0x40, s15, s28, $0xb8;
	[tilespmem:$0x1C000] =	vst v63  }
0x58: {  	_ =	swait.ge [sflag:s24], $0x2000  }
0x59: {  	[sflag:s24] =	ssyncset.done $0x0  }
0x5a: {  	s15 =	sadd.s32 $0x100, s14;
	[sflag:s24] =	ssyncadd.s32 $0xFFFFE000  }
0x5b: {  	[tilespmem:s29], [sflag:$0x1] =	stream.indirect.gather [hbm4b:s2+s28], $0x40, s15, s28, $0xb8;
	[tilespmem:$0x1C000] =	vst v63  }
0x5c: {  	_ =	swait.ge [sflag:s0], $0x2000  }
.Ltmp1:
0x5d: {  	[sflag:s0] =	ssyncset.done $0x0;
	(pc) =	sbr.rel @p0 .LBB2_4-.Ltmp1, $4  }
0x5e: {  	s14 =	sadd.s32 $0x5080, s14;
	[sflag:s0] =	ssyncadd.s32 $0xFFFFE000  }
0x5f: {  	[spmem:s3] =	stream.indirect.scatter.add.f32 [tilespmem:s30], [sflag:$0x3], $0x40, s14, s28, $0xb8;
	[tilespmem:$0x1C000] =	vst v63  }
0x60: {  	_ =	swait.ge [sflag:s24], $0x2000  }
0x61: {  	s15 =	smov.u32 s18;
	s14 =	sshra.s32 s17, $0x2;
	[sflag:s24] =	ssyncset.done $0x0  }
0x62: {  	s15 =	sadd.s32 $0x80, s14;
	[sflag:s24] =	ssyncadd.s32 $0xFFFFE000  }
0x63: {  	[tilespmem:s30], [sflag:$0x2] =	stream.indirect.gather [hbm4b:s2+s28], $0x40, s15, s28, $0xb8;
	[tilespmem:$0x1C000] =	vst v63  }
0x64: {  	_ =	swait.ge [sflag:s31], $0x2000  }
0x65: {  	[sflag:s31] =	ssyncset.done $0x0  }
0x66: {  	s17 =	sadd.s32 $0x5000, s14;
	[sflag:s31] =	ssyncadd.s32 $0xFFFFE000  }
0x67: {  	[spmem:s3] =	stream.indirect.scatter.add.f32 [tilespmem:s29], [sflag:$0x3], $0x40, s17, s28, $0xb8;
	[tilespmem:$0x1C000] =	vst v63  }
0x68: {  	_ =	swait.ge [sflag:s24], $0x2000  }
0x69: {  	[sflag:s24] =	ssyncset.done $0x0  }
0x6a: {  	s18 =	sadd.s32 $0x100, s14;
	[sflag:s24] =	ssyncadd.s32 $0xFFFFE000  }
0x6b: {  	[tilespmem:s29], [sflag:$0x1] =	stream.indirect.gather [hbm4b:s2+s28], $0x40, s18, s28, $0xb8;
	[tilespmem:$0x1C000] =	vst v63  }
0x6c: {  	_ =	swait.ge [sflag:s0], $0x2000  }
0x6d: {  	[sflag:s0] =	ssyncset.done $0x0  }
0x6e: {  	s16 =	sadd.s32 $0x5080, s14;
	[sflag:s0] =	ssyncadd.s32 $0xFFFFE000  }
0x6f: {  	[spmem:s3] =	stream.indirect.scatter.add.f32 [tilespmem:s30], [sflag:$0x3], $0x40, s16, s28, $0xb8;
	[tilespmem:$0x1C000] =	vst v63  }
0x70: {  	_ =	swait.ge [sflag:s24], $0x2000  }
0x71: {  	[sflag:s24] =	ssyncset.done $0x0  }
0x72: {  	[sflag:s24] =	ssyncadd.s32 $0xFFFFE000  }
0x73: {  	[tilespmem:s30], [sflag:$0x2] =	stream.indirect.gather [hbm4b:s2+s28], $0x40, s1, s28, $0xb8;
	[tilespmem:$0x1C000] =	vst v63  }
0x74: {  	_ =	swait.ge [sflag:s31], $0x2000  }
0x75: {  	[sflag:s31] =	ssyncset.done $0x0  }
0x76: {  	[sflag:s31] =	ssyncadd.s32 $0xFFFFE000  }
0x77: {  	[spmem:s3] =	stream.indirect.scatter.add.f32 [tilespmem:s29], [sflag:$0x3], $0x40, s25, s28, $0xb8;
	[tilespmem:$0x1C000] =	vst v63  }
0x78: {  	_ =	swait.ge [sflag:s24], $0x2000  }
0x79: {  	[sflag:s24] =	ssyncset.done $0x0  }
0x7a: {  	[sflag:s24] =	ssyncadd.s32 $0xFFFFE000  }
0x7b: {  	_ =	swait.ge [sflag:s0], $0x2000  }
0x7c: {  	[sflag:s0] =	ssyncset.done $0x0  }
0x7d: {  	[sflag:s0] =	ssyncadd.s32 $0xFFFFE000  }
0x7e: {  	[spmem:s3] =	stream.indirect.scatter.add.f32 [tilespmem:s30], [sflag:$0x3], $0x40, s6, s28, $0xb8;
	[tilespmem:$0x1C000] =	vst v63  }
0x7f: {  	_ =	swait.ge [sflag:s24], $0x2000  }
0x80: {  	[sflag:s24] =	ssyncset.done $0x0  }
0x81: {  	[sflag:s24] =	ssyncadd.s32 $0xFFFFE000  }
0x82: {  	[bflag:$0x0] =	sbarrier.arrive $0xFFFF  }
0x83: {  	[tilespmem:s7], [sflag:$0x3] =	stream.linear.gather [spmem:s8], $0x2000, $0x38;
	[tilespmem:$0x1C000] =	vst v63  }
0x84: {  	_ =	swait.ge [sflag:s24], $0x2000  }
0x85: {  	[sflag:s24] =	ssyncset.done $0x0  }
0x86: {  	s14 =	simm.s32 $0x0;
	s17 =	rddreg [dreg:$0x6];
	[sflag:s24] =	ssyncadd.s32 $0xFFFFE000  }
0x87: {  	[hbm4b:s17+s14] =	stream.linear.scatter [tilespmem:s7], [sflag:$0x3], $0x2000, $0x38;
	[tilespmem:$0x1C000] =	vst v63  }
0x88: {  	_ =	swait.ge [sflag:s24], $0x2000  }
0x89: {  	[sflag:s24] =	ssyncset.done $0x0  }
0x8a: {  	[sflag:s24] =	ssyncadd.s32 $0xFFFFE000  }
0x8b: {  	[tilespmem:s7], [sflag:$0x3] =	stream.linear.gather [spmem:s9], $0x2000, $0x38;
	[tilespmem:$0x1C000] =	vst v63  }
0x8c: {  	_ =	swait.ge [sflag:s24], $0x2000  }
0x8d: {  	[sflag:s24] =	ssyncset.done $0x0  }
0x8e: {  	s18 =	rddreg [dreg:$0x7];
	[sflag:s24] =	ssyncadd.s32 $0xFFFFE000  }
0x8f: {  	[hbm4b:s18+s14] =	stream.linear.scatter [tilespmem:s7], [sflag:$0x3], $0x2000, $0x38;
	[tilespmem:$0x1C000] =	vst v63  }
0x90: {  	_ =	swait.ge [sflag:s24], $0x2000  }
0x91: {  	[sflag:s24] =	ssyncset.done $0x0  }
0x92: {  	[sflag:s24] =	ssyncadd.s32 $0xFFFFE000  }
0x93: {  	[tilespmem:s7], [sflag:$0x3] =	stream.linear.gather [spmem:s10], $0x2000, $0x38;
	[tilespmem:$0x1C000] =	vst v63  }
0x94: {  	_ =	swait.ge [sflag:s24], $0x2000  }
0x95: {  	[sflag:s24] =	ssyncset.done $0x0  }
0x96: {  	s16 =	rddreg [dreg:$0x8];
	[sflag:s24] =	ssyncadd.s32 $0xFFFFE000  }
0x97: {  	[hbm4b:s16+s14] =	stream.linear.scatter [tilespmem:s7], [sflag:$0x3], $0x2000, $0x38;
	[tilespmem:$0x1C000] =	vst v63  }
0x98: {  	_ =	swait.ge [sflag:s24], $0x2000  }
0x99: {  	[sflag:s24] =	ssyncset.done $0x0  }
0x9a: {  	[sflag:s24] =	ssyncadd.s32 $0xFFFFE000  }
0x9b: {  	[tilespmem:s7], [sflag:$0x3] =	stream.linear.gather [spmem:s11], $0x2000, $0x38;
	[tilespmem:$0x1C000] =	vst v63  }
0x9c: {  	_ =	swait.ge [sflag:s24], $0x2000  }
0x9d: {  	[sflag:s24] =	ssyncset.done $0x0  }
0x9e: {  	s17 =	rddreg [dreg:$0x9];
	[sflag:s24] =	ssyncadd.s32 $0xFFFFE000  }
0x9f: {  	[hbm4b:s17+s14] =	stream.linear.scatter [tilespmem:s7], [sflag:$0x3], $0x2000, $0x38;
	[tilespmem:$0x1C000] =	vst v63  }
0xa0: {  	_ =	swait.ge [sflag:s24], $0x2000  }
0xa1: {  	[sflag:s24] =	ssyncset.done $0x0  }
0xa2: {  	[sflag:s24] =	ssyncadd.s32 $0xFFFFE000  }
0xa3: {  	[tilespmem:s7], [sflag:$0x3] =	stream.linear.gather [spmem:s12], $0x2000, $0x38;
	[tilespmem:$0x1C000] =	vst v63  }
0xa4: {  	_ =	swait.ge [sflag:s24], $0x2000  }
0xa5: {  	[sflag:s24] =	ssyncset.done $0x0  }
0xa6: {  	s18 =	rddreg [dreg:$0xa];
	[sflag:s24] =	ssyncadd.s32 $0xFFFFE000  }
0xa7: {  	[hbm4b:s18+s14] =	stream.linear.scatter [tilespmem:s7], [sflag:$0x3], $0x2000, $0x38;
	[tilespmem:$0x1C000] =	vst v63  }
0xa8: {  	_ =	swait.ge [sflag:s24], $0x2000  }
0xa9: {  	[sflag:s24] =	ssyncset.done $0x0  }
0xaa: {  	[sflag:s24] =	ssyncadd.s32 $0xFFFFE000  }
0xab: {  	[spmem:s8] =	stream.linear.scatter [tilespmem:s26], [sflag:$0x3], $0x2000, $0x38;
	[tilespmem:$0x1C000] =	vst v63  }
0xac: {  	_ =	swait.ge [sflag:s24], $0x2000  }
0xad: {  	[sflag:s24] =	ssyncset.done $0x0  }
0xae: {  	[sflag:s24] =	ssyncadd.s32 $0xFFFFE000  }
0xaf: {  	[spmem:s9] =	stream.linear.scatter [tilespmem:s26], [sflag:$0x3], $0x2000, $0x38;
	[tilespmem:$0x1C000] =	vst v63  }
0xb0: {  	_ =	swait.ge [sflag:s24], $0x2000  }
0xb1: {  	[sflag:s24] =	ssyncset.done $0x0  }
0xb2: {  	[sflag:s24] =	ssyncadd.s32 $0xFFFFE000  }
0xb3: {  	[spmem:s10] =	stream.linear.scatter [tilespmem:s26], [sflag:$0x3], $0x2000, $0x38;
	[tilespmem:$0x1C000] =	vst v63  }
0xb4: {  	_ =	swait.ge [sflag:s24], $0x2000  }
0xb5: {  	[sflag:s24] =	ssyncset.done $0x0  }
0xb6: {  	[sflag:s24] =	ssyncadd.s32 $0xFFFFE000  }
0xb7: {  	[spmem:s11] =	stream.linear.scatter [tilespmem:s26], [sflag:$0x3], $0x2000, $0x38;
	[tilespmem:$0x1C000] =	vst v63  }
0xb8: {  	_ =	swait.ge [sflag:s24], $0x2000  }
0xb9: {  	[sflag:s24] =	ssyncset.done $0x0  }
0xba: {  	[sflag:s24] =	ssyncadd.s32 $0xFFFFE000  }
0xbb: {  	[spmem:s12] =	stream.linear.scatter [tilespmem:s26], [sflag:$0x3], $0x2000, $0x38;
	[tilespmem:$0x1C000] =	vst v63  }
0xbc: {  	_ =	swait.ge [sflag:s24], $0x2000  }
0xbd: {  	[sflag:s24] =	ssyncset.done $0x0  }
0xbe: {  	[sflag:s24] =	ssyncadd.s32 $0xFFFFE000  }
0xbf: {  	[bflag:$0x0] =	sbarrier.arrive $0xFFFF  }
0xc0: {  	[tilespmem:s29], [sflag:$0x1] =	stream.indirect.gather [hbm4b:s5+s28], $0x40, s14, s28, $0xb8;
	[tilespmem:$0x1C000] =	vst v63  }
0xc1: {  	s15 =	simm.s32 $0x80  }
0xc2: {  	[tilespmem:s30], [sflag:$0x2] =	stream.indirect.gather [hbm4b:s5+s28], $0x40, s15, s28, $0xb8;
	[tilespmem:$0x1C000] =	vst v63  }
0xc3: {  	_ =	swait.ge [sflag:s31], $0x2000  }
0xc4: {  	[sflag:s31] =	ssyncset.done $0x0  }
0xc5: {  	s16 =	simm.s32 $0x5000;
	[sflag:s31] =	ssyncadd.s32 $0xFFFFE000  }
0xc6: {  	[spmem:s3] =	stream.indirect.scatter.add.f32 [tilespmem:s29], [sflag:$0x3], $0x40, s16, s28, $0xb8;
	[tilespmem:$0x1C000] =	vst v63  }
0xc7: {  	_ =	swait.ge [sflag:s24], $0x2000  }
0xc8: {  	[sflag:s24] =	ssyncset.done $0x0  }
0xc9: {  	s17 =	simm.s32 $0x100;
	[sflag:s24] =	ssyncadd.s32 $0xFFFFE000  }
0xca: {  	[tilespmem:s29], [sflag:$0x1] =	stream.indirect.gather [hbm4b:s5+s28], $0x40, s17, s28, $0xb8;
	[tilespmem:$0x1C000] =	vst v63  }
0xcb: {  	_ =	swait.ge [sflag:s0], $0x2000  }
0xcc: {  	[sflag:s0] =	ssyncset.done $0x0  }
0xcd: {  	s18 =	simm.s32 $0x5080;
	[sflag:s0] =	ssyncadd.s32 $0xFFFFE000  }
0xce: {  	[spmem:s3] =	stream.indirect.scatter.add.f32 [tilespmem:s30], [sflag:$0x3], $0x40, s18, s28, $0xb8;
	[tilespmem:$0x1C000] =	vst v63  }
0xcf: {  	_ =	swait.ge [sflag:s24], $0x2000  }
0xd0: {  	s14 =	simm.s32 $0x100;
	s15 =	simm.s32 $0x800;
	[sflag:s24] =	ssyncset.done $0x0  }
.LBB2_6:
0xd1: {  	s16 =	sadd.s32 $0x80, s14  }
0xd2: {  	[sflag:s24] =	ssyncadd.s32 $0xFFFFE000;
	s17 =	smov.u32 s15;
	s18 =	sadd.s32 $0x400, s15  }
0xd3: {  	[tilespmem:s30], [sflag:$0x2] =	stream.indirect.gather [hbm4b:s5+s28], $0x40, s16, s28, $0xb8;
	[tilespmem:$0x1C000] =	vst v63  }
0xd4: {  	p0 =	sne.s32 s15, $0x13800;
	_ =	swait.ge [sflag:s31], $0x2000  }
0xd5: {  	[sflag:s31] =	ssyncset.done $0x0  }
0xd6: {  	s15 =	sadd.s32 $0x5000, s14;
	[sflag:s31] =	ssyncadd.s32 $0xFFFFE000  }
0xd7: {  	[spmem:s3] =	stream.indirect.scatter.add.f32 [tilespmem:s29], [sflag:$0x3], $0x40, s15, s28, $0xb8;
	[tilespmem:$0x1C000] =	vst v63  }
0xd8: {  	_ =	swait.ge [sflag:s24], $0x2000  }
0xd9: {  	[sflag:s24] =	ssyncset.done $0x0  }
0xda: {  	s15 =	sadd.s32 $0x100, s14;
	[sflag:s24] =	ssyncadd.s32 $0xFFFFE000  }
0xdb: {  	[tilespmem:s29], [sflag:$0x1] =	stream.indirect.gather [hbm4b:s5+s28], $0x40, s15, s28, $0xb8;
	[tilespmem:$0x1C000] =	vst v63  }
0xdc: {  	_ =	swait.ge [sflag:s0], $0x2000  }
.Ltmp2:
0xdd: {  	[sflag:s0] =	ssyncset.done $0x0;
	(pc) =	sbr.rel @p0 .LBB2_6-.Ltmp2, $4  }
0xde: {  	s14 =	sadd.s32 $0x5080, s14;
	[sflag:s0] =	ssyncadd.s32 $0xFFFFE000  }
0xdf: {  	[spmem:s3] =	stream.indirect.scatter.add.f32 [tilespmem:s30], [sflag:$0x3], $0x40, s14, s28, $0xb8;
	[tilespmem:$0x1C000] =	vst v63  }
0xe0: {  	_ =	swait.ge [sflag:s24], $0x2000  }
0xe1: {  	s15 =	smov.u32 s18;
	s14 =	sshra.s32 s17, $0x2;
	[sflag:s24] =	ssyncset.done $0x0  }
0xe2: {  	s15 =	sadd.s32 $0x80, s14;
	[sflag:s24] =	ssyncadd.s32 $0xFFFFE000  }
0xe3: {  	[tilespmem:s30], [sflag:$0x2] =	stream.indirect.gather [hbm4b:s5+s28], $0x40, s15, s28, $0xb8;
	[tilespmem:$0x1C000] =	vst v63  }
0xe4: {  	_ =	swait.ge [sflag:s31], $0x2000  }
0xe5: {  	[sflag:s31] =	ssyncset.done $0x0  }
0xe6: {  	s18 =	sadd.s32 $0x5000, s14;
	[sflag:s31] =	ssyncadd.s32 $0xFFFFE000  }
0xe7: {  	[spmem:s3] =	stream.indirect.scatter.add.f32 [tilespmem:s29], [sflag:$0x3], $0x40, s18, s28, $0xb8;
	[tilespmem:$0x1C000] =	vst v63  }
0xe8: {  	_ =	swait.ge [sflag:s24], $0x2000  }
0xe9: {  	[sflag:s24] =	ssyncset.done $0x0  }
0xea: {  	s16 =	sadd.s32 $0x100, s14;
	[sflag:s24] =	ssyncadd.s32 $0xFFFFE000  }
0xeb: {  	[tilespmem:s29], [sflag:$0x1] =	stream.indirect.gather [hbm4b:s5+s28], $0x40, s16, s28, $0xb8;
	[tilespmem:$0x1C000] =	vst v63  }
0xec: {  	_ =	swait.ge [sflag:s0], $0x2000  }
0xed: {  	[sflag:s0] =	ssyncset.done $0x0  }
0xee: {  	s17 =	sadd.s32 $0x5080, s14;
	[sflag:s0] =	ssyncadd.s32 $0xFFFFE000  }
0xef: {  	[spmem:s3] =	stream.indirect.scatter.add.f32 [tilespmem:s30], [sflag:$0x3], $0x40, s17, s28, $0xb8;
	[tilespmem:$0x1C000] =	vst v63  }
0xf0: {  	_ =	swait.ge [sflag:s24], $0x2000  }
0xf1: {  	[sflag:s24] =	ssyncset.done $0x0  }
0xf2: {  	[sflag:s24] =	ssyncadd.s32 $0xFFFFE000  }
0xf3: {  	[tilespmem:s30], [sflag:$0x2] =	stream.indirect.gather [hbm4b:s5+s28], $0x40, s1, s28, $0xb8;
	[tilespmem:$0x1C000] =	vst v63  }
0xf4: {  	_ =	swait.ge [sflag:s31], $0x2000  }
0xf5: {  	[sflag:s31] =	ssyncset.done $0x0  }
0xf6: {  	[sflag:s31] =	ssyncadd.s32 $0xFFFFE000  }
0xf7: {  	[spmem:s3] =	stream.indirect.scatter.add.f32 [tilespmem:s29], [sflag:$0x3], $0x40, s25, s28, $0xb8;
	[tilespmem:$0x1C000] =	vst v63  }
0xf8: {  	_ =	swait.ge [sflag:s24], $0x2000  }
0xf9: {  	[sflag:s24] =	ssyncset.done $0x0  }
0xfa: {  	[sflag:s24] =	ssyncadd.s32 $0xFFFFE000  }
0xfb: {  	_ =	swait.ge [sflag:s0], $0x2000  }
0xfc: {  	[sflag:s0] =	ssyncset.done $0x0  }
0xfd: {  	[sflag:s0] =	ssyncadd.s32 $0xFFFFE000  }
0xfe: {  	[spmem:s3] =	stream.indirect.scatter.add.f32 [tilespmem:s30], [sflag:$0x3], $0x40, s6, s28, $0xb8;
	[tilespmem:$0x1C000] =	vst v63  }
0xff: {  	_ =	swait.ge [sflag:s24], $0x2000  }
0x100: {  	[sflag:s24] =	ssyncset.done $0x0  }
0x101: {  	[sflag:s24] =	ssyncadd.s32 $0xFFFFE000  }
0x102: {  	[bflag:$0x0] =	sbarrier.arrive $0xFFFF  }
0x103: {  	[tilespmem:s7], [sflag:$0x3] =	stream.linear.gather [spmem:s8], $0x2000, $0x38;
	[tilespmem:$0x1C000] =	vst v63  }
0x104: {  	_ =	swait.ge [sflag:s24], $0x2000  }
0x105: {  	[sflag:s24] =	ssyncset.done $0x0  }
0x106: {  	s18 =	rddreg [dreg:$0xb];
	[sflag:s24] =	ssyncadd.s32 $0xFFFFE000  }
0x107: {  	[hbm4b:s18+s4] =	stream.linear.scatter [tilespmem:s7], [sflag:$0x3], $0x2000, $0x38;
	[tilespmem:$0x1C000] =	vst v63  }
0x108: {  	_ =	swait.ge [sflag:s24], $0x2000  }
0x109: {  	[sflag:s24] =	ssyncset.done $0x0  }
0x10a: {  	[sflag:s24] =	ssyncadd.s32 $0xFFFFE000  }
0x10b: {  	[tilespmem:s7], [sflag:$0x3] =	stream.linear.gather [spmem:s9], $0x2000, $0x38;
	[tilespmem:$0x1C000] =	vst v63  }
0x10c: {  	_ =	swait.ge [sflag:s24], $0x2000  }
0x10d: {  	[sflag:s24] =	ssyncset.done $0x0  }
0x10e: {  	[sflag:s24] =	ssyncadd.s32 $0xFFFFE000  }
0x10f: {  	[hbm4b:s19+s4] =	stream.linear.scatter [tilespmem:s7], [sflag:$0x3], $0x2000, $0x38;
	[tilespmem:$0x1C000] =	vst v63  }
0x110: {  	_ =	swait.ge [sflag:s24], $0x2000  }
0x111: {  	[sflag:s24] =	ssyncset.done $0x0  }
0x112: {  	[sflag:s24] =	ssyncadd.s32 $0xFFFFE000  }
0x113: {  	[tilespmem:s7], [sflag:$0x3] =	stream.linear.gather [spmem:s10], $0x2000, $0x38;
	[tilespmem:$0x1C000] =	vst v63  }
0x114: {  	_ =	swait.ge [sflag:s24], $0x2000  }
0x115: {  	[sflag:s24] =	ssyncset.done $0x0  }
0x116: {  	[sflag:s24] =	ssyncadd.s32 $0xFFFFE000  }
0x117: {  	[hbm4b:s20+s4] =	stream.linear.scatter [tilespmem:s7], [sflag:$0x3], $0x2000, $0x38;
	[tilespmem:$0x1C000] =	vst v63  }
0x118: {  	_ =	swait.ge [sflag:s24], $0x2000  }
0x119: {  	[sflag:s24] =	ssyncset.done $0x0  }
0x11a: {  	[sflag:s24] =	ssyncadd.s32 $0xFFFFE000  }
0x11b: {  	[tilespmem:s7], [sflag:$0x3] =	stream.linear.gather [spmem:s11], $0x2000, $0x38;
	[tilespmem:$0x1C000] =	vst v63  }
0x11c: {  	_ =	swait.ge [sflag:s24], $0x2000  }
0x11d: {  	[sflag:s24] =	ssyncset.done $0x0  }
0x11e: {  	[sflag:s24] =	ssyncadd.s32 $0xFFFFE000  }
0x11f: {  	[hbm4b:s21+s4] =	stream.linear.scatter [tilespmem:s7], [sflag:$0x3], $0x2000, $0x38;
	[tilespmem:$0x1C000] =	vst v63  }
0x120: {  	_ =	swait.ge [sflag:s24], $0x2000  }
0x121: {  	[sflag:s24] =	ssyncset.done $0x0  }
0x122: {  	[sflag:s24] =	ssyncadd.s32 $0xFFFFE000  }
0x123: {  	[tilespmem:s7], [sflag:$0x3] =	stream.linear.gather [spmem:s12], $0x2000, $0x38;
	[tilespmem:$0x1C000] =	vst v63  }
0x124: {  	s13 =	sadd.s32 $0x1, s13;
	_ =	swait.ge [sflag:s24], $0x2000  }
0x125: {  	p0 =	sne.s32 s13, s23;
	[sflag:s24] =	ssyncset.done $0x0  }
.Ltmp3:
0x126: {  	[sflag:s24] =	ssyncadd.s32 $0xFFFFE000;
	(pc) =	sbr.rel @p0 .LBB2_1-.Ltmp3, $4  }
0x127: {  	[hbm4b:s22+s4] =	stream.linear.scatter [tilespmem:s7], [sflag:$0x3], $0x2000, $0x38;
	[tilespmem:$0x1C000] =	vst v63  }
0x128: {  	_ =	swait.ge [sflag:s24], $0x2000  }
0x129: {  	[sflag:s24] =	ssyncset.done $0x0  }
0x12a: {  	[sflag:s24] =	ssyncadd.s32 $0xFFFFE000  }
0x12b: {  	_ =	sfence.sel $0x180000  }
0x12c: {  	[bflag:$0x0] =	sbarrier.arrive $0xFFFF  }
0x12d: {  	_ =	strace $0x9000004A  }
0x12e: {  	s0 =	stileid.u32;
	[bflag:$0x2] =	sbarrier.arrive $0xFFFF  }
0x12f: {  	p0 =	sne.s32 s0, $0x0;
	s0 =	rddreg [dreg:$0x3]  }
0x130: {  	s0 =	sadd.s32 @!p0 $0x100000, s0  }
0x131: {  	[sflag:s0] =	ssyncadd.tile.s32 @!p0 $0x1;
	_ =	shalt  }
.Lfunc_end2:
_tile_overlayer_lowered:
.L_overlay_start_2:
0x132: {  	(tag) =	ssettag $0x2  }
0x133: {  	s0 =	rddreg [dreg:$0x0];
	s2 =	stileid.u32  }
0x134: {  	s1 =	rddreg [dreg:$0x1];
	p0 =	sne.s32 s2, $0x0  }
0x135: {  	s3 =	rddreg [dreg:$0x2];
	[bflag:$0x3] =	sbarrier.arrive $0xFFFF;
	s2 =	simm.s32 @!p0 $0x1C03  }
0x136: {  	[timem:s3], [sflag:s2] =	dma.local @!p0 [hbm:s0], s1  }
0x137: {  	s0 =	simm.s32 @!p0 $0x3  }
0x138: {  	_ =	swait.ge @!p0 [sflag:s0], s1  }
0x139: {  	s1 =	ssub.s32 @!p0 $0x0, s1;
	[sflag:s0] =	ssyncset.done @!p0 $0x0  }
0x13a: {  	[sflag:s0] =	ssyncadd.s32 @!p0 s1  }
0x13b: {  	[bflag:$0x3] =	sbarrier.arrive $0xFFFF  }
0x13c: {  	_ =	shalt  }

</sc_bundles>
